<compile_context>
chip_gen: v7x
topology: tpu7x:2x2x1
jax: 0.10.2.dev20260603
libtpu: 0.0.44.dev20260713+nightly
codegen_flags: <defaults>
</compile_context>

<pallas_src>
import jax
import jax.numpy as jnp
from jax import lax
from jax.experimental import pallas as pl
from jax.experimental.pallas import tpu as pltpu
from jax.experimental.pallas import tpu_sc as plsc
from jax._src.pallas import mpmd as _mpmd

L = 2048
SD = 8
MS = 64
DIN = 1024
PD = MS * SD
NT = L * 16
NSTEP = 16
BM = L // NSTEP
NWORK = 32
RPW = L // NWORK
HALF = RPW // 2
PADW = 256


def _matmul_body(x_ref, w_ref, b_ref, o_ref, z_ref, w5_ref, b5_ref):
    @pl.when(pl.program_id(0) == 0)
    def _build_w5():
        r = lax.broadcasted_iota(jnp.int32, (PD, SD * 128), 0)
        c = lax.broadcasted_iota(jnp.int32, (PD, SD * 128), 1)
        perm = (r == 8 * lax.rem(c, 128) + lax.div(c, 128)).astype(jnp.float32)
        w5_ref[...] = jnp.dot(
            w_ref[...], perm, preferred_element_type=jnp.float32
        )
        b5_ref[...] = jnp.dot(
            b_ref[...], perm, preferred_element_type=jnp.float32
        )

    acc = (
        jnp.dot(x_ref[...], w5_ref[...], preferred_element_type=jnp.float32)
        + b5_ref[...]
    )
    row_res = lax.rem(
        lax.broadcasted_iota(jnp.int32, (BM, SD * 128), 0), SD
    )
    rolled = acc
    for kk in range(1, SD):
        rolled = jnp.where(row_res == kk, jnp.roll(acc, kk, axis=1), rolled)
    for d in range(SD):
        o_ref[d] = rolled[:, 128 * d:128 * (d + 1)]
    z_ref[...] = jnp.zeros_like(z_ref)


def _sc_expand_body(p2p_hbm, z_hbm, out_hbm, bufpad, semz, semb):
    del z_hbm
    wid = lax.axis_index("s") * 2 + lax.axis_index("c")
    i0w = wid * RPW

    zcp = (
        p2p_hbm.at[:, pl.ds(i0w, HALF), pl.ds(72, 56)],
        bufpad.at[:, :, pl.ds(72, 56)],
    )
    pltpu.make_async_copy(*zcp, semz).start()
    pltpu.make_async_copy(*zcp, semz).wait()

    for half in range(2):
        i0 = i0w + HALF * half
        pltpu.sync_copy(
            p2p_hbm.at[:, pl.ds(i0, HALF), :], bufpad.at[:, :, pl.ds(128, 128)]
        )

        def issue(r, carry):
            l = i0 + r
            k = lax.rem(l, 8)
            off1 = pl.multiple_of(128 + k - lax.rem(l, 64), 8)
            bb0 = lax.div(l, 64)

            @pl.when(lax.rem(bb0, 2) == 0)
            def _one_tile():
                pltpu.make_async_copy(
                    bufpad.at[:, r, pl.ds(off1, 128)],
                    out_hbm.at[l * 16 + lax.div(bb0, 2)],
                    semb,
                ).start()

            @pl.when(lax.rem(bb0, 2) == 1)
            def _two_tiles():
                for h in range(2):
                    bb = lax.rem(bb0 + h, 32)
                    ct = lax.div(bb, 2)
                    hf = lax.rem(bb, 2)
                    pltpu.make_async_copy(
                        bufpad.at[:, r, pl.ds(off1 + 64 * h, 64)],
                        out_hbm.at[l * 16 + ct, :, pl.ds(64 * hf, 64)],
                        semb,
                    ).start()

            return carry

        lax.fori_loop(0, HALF, issue, 0)

        def drain(q, carry):
            pltpu.make_async_copy(
                p2p_hbm.at[:, 0, pl.ds(0, 64)],
                bufpad.at[:, 0, pl.ds(0, 64)],
                semb,
            ).wait()
            return carry

        lax.fori_loop(0, 2 * HALF, drain, 0)


def kernel(pred0, pred1, pred2, W, b):
    del pred0, pred2
    x = pred1.reshape(L, DIN)
    b2 = b.reshape(1, PD)

    p2p5, zeros_buf = pl.pallas_call(
        _matmul_body,
        grid=(NSTEP,),
        in_specs=[
            pl.BlockSpec((BM, DIN), lambda i: (i, 0)),
            pl.BlockSpec((DIN, PD), lambda i: (0, 0)),
            pl.BlockSpec((1, PD), lambda i: (0, 0)),
        ],
        out_specs=[
            pl.BlockSpec((SD, BM, 128), lambda i: (0, i, 0)),
            pl.BlockSpec((NT // NSTEP, SD, 128), lambda i: (i, 0, 0)),
        ],
        out_shape=[
            jax.ShapeDtypeStruct((SD, L, 128), jnp.float32),
            jax.ShapeDtypeStruct((NT, SD, 128), jnp.float32),
        ],
        scratch_shapes=[
            pltpu.VMEM((DIN, SD * 128), jnp.float32),
            pltpu.VMEM((1, SD * 128), jnp.float32),
        ],
        compiler_params=pltpu.CompilerParams(
            vmem_limit_bytes=52 * 1024 * 1024
        ),
    )(x, W, b2)

    mesh = plsc.VectorSubcoreMesh(core_axis_name="c", subcore_axis_name="s")
    expand = _mpmd._mpmd_map(
        [(mesh, _sc_expand_body)],
        out_types=jax.ShapeDtypeStruct((NT, SD, 128), jnp.float32),
        input_output_aliases={1: 0},
        compiler_params=pltpu.CompilerParams(use_tc_tiling_on_sc=False),
        scratch_types=[
            pltpu.VMEM((SD, HALF, PADW), jnp.float32),
            pltpu.SemaphoreType.DMA,
            pltpu.SemaphoreType.DMA,
        ],
    )
    out5 = expand(p2p5, zeros_buf)
    out = out5.reshape(L, 16, SD, 128).transpose(0, 1, 3, 2)
    return out.reshape(1, L, L, SD)

# --- scband reference (transcript-rebuilt; emitter-appended) ---
"""Pipeline reference for scband-expand-operator-5531917878017 (READ-ONLY COPY).

The authoritative reference and input builder live on the scoring server;
editing this copy changes nothing except your own understanding.
"""

import jax, jax.numpy as jnp
import numpy as np

MAX_SPAN = 64
SPAN_DIM = 8
D_IN = 1024
ALL_SIZE = MAX_SPAN * SPAN_DIM


def setup_inputs(seed: int = 0) -> dict:
    key = jax.random.key(seed)
    k0, k1, k2, kw = jax.random.split(key, 4)
    pred0 = jax.random.normal(k0, (1, 2048, SPAN_DIM), dtype=jnp.float32)
    pred1 = jax.random.normal(k1, (1, 2048, D_IN), dtype=jnp.float32)
    pred2 = jax.random.normal(k2, (1, 2048, SPAN_DIM), dtype=jnp.float32)
    W = jax.random.normal(kw, (D_IN, ALL_SIZE), dtype=jnp.float32) * 0.02
    b = jnp.zeros((ALL_SIZE,), dtype=jnp.float32)
    return {"pred0": pred0, "pred1": pred1, "pred2": pred2, "W": W, "b": b}


def reference(pred0, pred1, pred2, W, b):
    # reader: Identity(pred0), Linear(pred1), Identity(pred2)
    p = pred1 @ W + b
    B, L, _ = p.shape
    p = p.reshape(B, L, MAX_SPAN, SPAN_DIM)
    t = jnp.arange(L, dtype=jnp.int32)
    s = jnp.arange(MAX_SPAN, dtype=jnp.int32)
    scatter_index = (t[:, None] + s[None, :]) % L  # [L, MAX_SPAN]
    idx = jnp.broadcast_to(scatter_index[None, :, :, None], (B, L, MAX_SPAN, SPAN_DIM))
    out = jnp.zeros((B, L, L, SPAN_DIM), dtype=p.dtype)
    b_idx = jnp.arange(B)[:, None, None, None]
    l_idx = jnp.arange(L)[None, :, None, None]
    d_idx = jnp.arange(SPAN_DIM)[None, None, None, :]
    # scatter-overwrite along axis 2 (indices are unique per row, matches torch scatter_)
    out = out.at[b_idx, l_idx, idx, d_idx].set(p)
    return out

if __name__ == "__main__":
    import jax
    _d = setup_inputs()
    print(jax.jit(kernel)(*tuple(_d.values())))

</pallas_src>

<mosaic_0001>
#map = affine_map<(d0, d1) -> (0, 0, 0)>
module attributes {stable_mosaic.version = 14 : i64} {
  func.func @_sc_expand_body(%arg0: i32, %arg1: i32, %arg2: memref<8x2048x128xf32, #tpu.memory_space<hbm>>, %arg3: memref<32768x8x128xf32, #tpu.memory_space<hbm>>, %arg4: memref<32768x8x128xf32, #tpu.memory_space<hbm>>, %arg5: memref<8x32x256xf32, #tpu.memory_space<vmem>>, %arg6: memref<!tpu.dma_semaphore, #tpu.memory_space<semaphore_mem>>, %arg7: memref<!tpu.dma_semaphore, #tpu.memory_space<semaphore_mem>>) attributes {dimension_semantics = [#tpu.dimension_semantics<core_parallel>, #tpu.dimension_semantics<subcore_parallel>], iteration_bounds = array<i64: 2, 16>, scalar_prefetch = 0 : i64, scratch_operands = 3 : i64, tpu.core_type = #tpu.core_type<sc_vector_subcore>, window_params = [{transform_indices = #map}, {transform_indices = #map}, {transform_indices = #map}]} {
    %mul3A = arith.constant 2 : i32
    %mul3A_0 = arith.muli %arg1, %mul3A : i32
    %add3A = arith.addi %mul3A_0, %arg0 : i32
    %mul3A_1 = arith.constant 64 : i32
    %mul3A_2 = arith.muli %add3A, %mul3A_1 : i32
    %dma_start3A = arith.constant 0 : i32
    %dma_start3A_3 = arith.constant 0 : i32
    %dma_start3A_4 = arith.constant 72 : i32
    %dma_start3A_5 = tpu.memref_slice %arg5[%dma_start3A, %dma_start3A_3, %dma_start3A_4] : memref<8x32x256xf32, #tpu.memory_space<vmem>> -> memref<8x32x56xf32, #tpu.memory_space<vmem>>
    %dma_start3A_6 = arith.constant 0 : i32
    %dma_start3A_7 = arith.constant 72 : i32
    %dma_start3A_8 = tpu.memref_slice %arg2[%dma_start3A_6, %mul3A_2, %dma_start3A_7] : memref<8x2048x128xf32, #tpu.memory_space<hbm>> -> memref<8x32x56xf32, #tpu.memory_space<hbm>>
    %dma_start3A_9 = arith.constant 0 : i32
    %dma_start3A_10 = arith.constant 0 : i32
    %dma_start3A_11 = arith.constant 72 : i32
    %dma_start3A_12 = tpu.memref_slice %arg5[%dma_start3A_9, %dma_start3A_10, %dma_start3A_11] : memref<8x32x256xf32, #tpu.memory_space<vmem>> -> memref<8x32x56xf32, #tpu.memory_space<vmem>>
    %dma_start3A_13 = arith.constant 0 : i32
    %dma_start3A_14 = arith.constant 72 : i32
    %dma_start3A_15 = tpu.memref_slice %arg2[%dma_start3A_13, %mul3A_2, %dma_start3A_14] : memref<8x2048x128xf32, #tpu.memory_space<hbm>> -> memref<8x32x56xf32, #tpu.memory_space<hbm>>
    tpu.enqueue_dma source(%dma_start3A_15 : memref<8x32x56xf32, #tpu.memory_space<hbm>>) target(%dma_start3A_12 : memref<8x32x56xf32, #tpu.memory_space<vmem>>) target_semaphore(%arg6 : memref<!tpu.dma_semaphore, #tpu.memory_space<semaphore_mem>>)
    %dma_wait3A = arith.constant 0 : i32
    %dma_wait3A_16 = arith.constant 0 : i32
    %dma_wait3A_17 = arith.constant 72 : i32
    %dma_wait3A_18 = tpu.memref_slice %arg5[%dma_wait3A, %dma_wait3A_16, %dma_wait3A_17] : memref<8x32x256xf32, #tpu.memory_space<vmem>> -> memref<8x32x56xf32, #tpu.memory_space<vmem>>
    %dma_wait3A_19 = arith.constant 0 : i32
    %dma_wait3A_20 = arith.constant 72 : i32
    %dma_wait3A_21 = tpu.memref_slice %arg2[%dma_wait3A_19, %mul3A_2, %dma_wait3A_20] : memref<8x2048x128xf32, #tpu.memory_space<hbm>> -> memref<8x32x56xf32, #tpu.memory_space<hbm>>
    %dma_wait3A_22 = arith.constant 0 : i32
    %dma_wait3A_23 = arith.constant 0 : i32
    %dma_wait3A_24 = arith.constant 72 : i32
    %dma_wait3A_25 = tpu.memref_slice %arg5[%dma_wait3A_22, %dma_wait3A_23, %dma_wait3A_24] : memref<8x32x256xf32, #tpu.memory_space<vmem>> -> memref<8x32x56xf32, #tpu.memory_space<vmem>>
    %dma_wait3A_26 = arith.constant 0 : i32
    %dma_wait3A_27 = arith.constant 72 : i32
    %dma_wait3A_28 = tpu.memref_slice %arg2[%dma_wait3A_26, %mul3A_2, %dma_wait3A_27] : memref<8x2048x128xf32, #tpu.memory_space<hbm>> -> memref<8x32x56xf32, #tpu.memory_space<hbm>>
    tpu.wait_dma2 semaphore(%arg6 : memref<!tpu.dma_semaphore, #tpu.memory_space<semaphore_mem>>) src(%dma_wait3A_28 : memref<8x32x56xf32, #tpu.memory_space<hbm>>) dst(%dma_wait3A_25 : memref<8x32x56xf32, #tpu.memory_space<vmem>>)
    %add3A_29 = arith.constant 0 : i32
    %add3A_30 = arith.addi %mul3A_2, %add3A_29 : i32
    "tpu.region"() ({
      %run_scoped3A = tpu.sem_alloc : memref<!tpu.dma_semaphore, #tpu.memory_space<semaphore_mem>>
      %dma_start3A_56 = arith.constant 0 : i32
      %dma_start3A_57 = arith.constant 0 : i32
      %dma_start3A_58 = arith.constant 128 : i32
      %dma_start3A_59 = tpu.memref_slice %arg5[%dma_start3A_56, %dma_start3A_57, %dma_start3A_58] : memref<8x32x256xf32, #tpu.memory_space<vmem>> -> memref<8x32x128xf32, #tpu.memory_space<vmem>>
      %dma_start3A_60 = arith.constant 0 : i32
      %dma_start3A_61 = arith.constant 0 : i32
      %dma_start3A_62 = tpu.memref_slice %arg2[%dma_start3A_60, %add3A_30, %dma_start3A_61] : memref<8x2048x128xf32, #tpu.memory_space<hbm>> -> memref<8x32x128xf32, #tpu.memory_space<hbm>>
      %dma_start3A_63 = arith.constant 0 : i32
      %dma_start3A_64 = arith.constant 0 : i32
      %dma_start3A_65 = arith.constant 128 : i32
      %dma_start3A_66 = tpu.memref_slice %arg5[%dma_start3A_63, %dma_start3A_64, %dma_start3A_65] : memref<8x32x256xf32, #tpu.memory_space<vmem>> -> memref<8x32x128xf32, #tpu.memory_space<vmem>>
      %dma_start3A_67 = arith.constant 0 : i32
      %dma_start3A_68 = arith.constant 0 : i32
      %dma_start3A_69 = tpu.memref_slice %arg2[%dma_start3A_67, %add3A_30, %dma_start3A_68] : memref<8x2048x128xf32, #tpu.memory_space<hbm>> -> memref<8x32x128xf32, #tpu.memory_space<hbm>>
      tpu.enqueue_dma source(%dma_start3A_69 : memref<8x32x128xf32, #tpu.memory_space<hbm>>) target(%dma_start3A_66 : memref<8x32x128xf32, #tpu.memory_space<vmem>>) target_semaphore(%run_scoped3A : memref<!tpu.dma_semaphore, #tpu.memory_space<semaphore_mem>>)
      %dma_wait3A_70 = arith.constant 0 : i32
      %dma_wait3A_71 = arith.constant 0 : i32
      %dma_wait3A_72 = arith.constant 128 : i32
      %dma_wait3A_73 = tpu.memref_slice %arg5[%dma_wait3A_70, %dma_wait3A_71, %dma_wait3A_72] : memref<8x32x256xf32, #tpu.memory_space<vmem>> -> memref<8x32x128xf32, #tpu.memory_space<vmem>>
      %dma_wait3A_74 = arith.constant 0 : i32
      %dma_wait3A_75 = arith.constant 0 : i32
      %dma_wait3A_76 = tpu.memref_slice %arg2[%dma_wait3A_74, %add3A_30, %dma_wait3A_75] : memref<8x2048x128xf32, #tpu.memory_space<hbm>> -> memref<8x32x128xf32, #tpu.memory_space<hbm>>
      %dma_wait3A_77 = arith.constant 0 : i32
      %dma_wait3A_78 = arith.constant 0 : i32
      %dma_wait3A_79 = arith.constant 128 : i32
      %dma_wait3A_80 = tpu.memref_slice %arg5[%dma_wait3A_77, %dma_wait3A_78, %dma_wait3A_79] : memref<8x32x256xf32, #tpu.memory_space<vmem>> -> memref<8x32x128xf32, #tpu.memory_space<vmem>>
      %dma_wait3A_81 = arith.constant 0 : i32
      %dma_wait3A_82 = arith.constant 0 : i32
      %dma_wait3A_83 = tpu.memref_slice %arg2[%dma_wait3A_81, %add3A_30, %dma_wait3A_82] : memref<8x2048x128xf32, #tpu.memory_space<hbm>> -> memref<8x32x128xf32, #tpu.memory_space<hbm>>
      tpu.wait_dma2 semaphore(%run_scoped3A : memref<!tpu.dma_semaphore, #tpu.memory_space<semaphore_mem>>) src(%dma_wait3A_83 : memref<8x32x128xf32, #tpu.memory_space<hbm>>) dst(%dma_wait3A_80 : memref<8x32x128xf32, #tpu.memory_space<vmem>>)
      tpu.yield
    }) : () -> ()
    %scan3A = arith.constant 0 : i32
    %scan3A_31 = arith.constant 0 : i32
    %scan3A_32 = arith.constant 32 : i32
    %scan3A_33 = arith.addi %scan3A_31, %scan3A_32 : i32
    %scan3A_34 = arith.constant 1 : i32
    scf.for %scan3A_56 = %scan3A_31 to %scan3A_33 step %scan3A_34  : i32 {
      %add3A_57 = arith.addi %add3A_30, %scan3A_56 : i32
      %rem3A = arith.constant 8 : i32
      %rem3A_58 = arith.remsi %add3A_57, %rem3A : i32
      %add3A_59 = arith.constant 128 : i32
      %add3A_60 = arith.addi %add3A_59, %rem3A_58 : i32
      %rem3A_61 = arith.constant 64 : i32
      %rem3A_62 = arith.remsi %add3A_57, %rem3A_61 : i32
      %sub3A = arith.subi %add3A_60, %rem3A_62 : i32
      %multiple_of3A = tpu.assume_multiple %sub3A, 8 : i32
      %div3A = arith.constant 64 : i32
      %div3A_63 = arith.divsi %add3A_57, %div3A : i32
      %rem3A_64 = arith.constant 2 : i32
      %rem3A_65 = arith.remsi %div3A_63, %rem3A_64 : i32
      %eq3A = arith.constant 0 : i32
      %eq3A_66 = arith.cmpi eq, %rem3A_65, %eq3A : i32
      %convert_element_type3A = arith.extui %eq3A_66 : i1 to i32
      %cond3A = arith.constant 0 : i32
      %cond3A_67 = arith.cmpi ne, %convert_element_type3A, %cond3A : i32
      scf.if %cond3A_67 {
        %mul3A_75 = arith.constant 16 : i32
        %mul3A_76 = arith.muli %add3A_57, %mul3A_75 : i32
        %div3A_77 = arith.constant 2 : i32
        %div3A_78 = arith.divsi %div3A_63, %div3A_77 : i32
        %add3A_79 = arith.addi %mul3A_76, %div3A_78 : i32
        %dma_start3A_80 = arith.constant 0 : i32
        %dma_start3A_81 = tpu.memref_slice %arg5[%dma_start3A_80, %scan3A_56, %multiple_of3A] : memref<8x32x256xf32, #tpu.memory_space<vmem>> -> memref<8x1x128xf32, #tpu.memory_space<vmem>>
        %dma_start3A_82 = tpu.memref_squeeze %dma_start3A_81 : memref<8x1x128xf32, #tpu.memory_space<vmem>> -> memref<8x128xf32, #tpu.memory_space<vmem>>
        %dma_start3A_83 = arith.constant 0 : i32
        %dma_start3A_84 = arith.constant 0 : i32
        %dma_start3A_85 = tpu.memref_slice %arg4[%add3A_79, %dma_start3A_83, %dma_start3A_84] : memref<32768x8x128xf32, #tpu.memory_space<hbm>> -> memref<1x8x128xf32, #tpu.memory_space<hbm>>
        %dma_start3A_86 = tpu.memref_squeeze %dma_start3A_85 : memref<1x8x128xf32, #tpu.memory_space<hbm>> -> memref<8x128xf32, #tpu.memory_space<hbm>>
        %dma_start3A_87 = arith.constant 0 : i32
        %dma_start3A_88 = arith.constant 0 : i32
        %dma_start3A_89 = tpu.memref_slice %arg4[%add3A_79, %dma_start3A_87, %dma_start3A_88] : memref<32768x8x128xf32, #tpu.memory_space<hbm>> -> memref<1x8x128xf32, #tpu.memory_space<hbm>>
        %dma_start3A_90 = tpu.memref_squeeze %dma_start3A_89 : memref<1x8x128xf32, #tpu.memory_space<hbm>> -> memref<8x128xf32, #tpu.memory_space<hbm>>
        %dma_start3A_91 = arith.constant 0 : i32
        %dma_start3A_92 = tpu.memref_slice %arg5[%dma_start3A_91, %scan3A_56, %multiple_of3A] : memref<8x32x256xf32, #tpu.memory_space<vmem>> -> memref<8x1x128xf32, #tpu.memory_space<vmem>>
        %dma_start3A_93 = tpu.memref_squeeze %dma_start3A_92 : memref<8x1x128xf32, #tpu.memory_space<vmem>> -> memref<8x128xf32, #tpu.memory_space<vmem>>
        tpu.enqueue_dma source(%dma_start3A_93 : memref<8x128xf32, #tpu.memory_space<vmem>>) target(%dma_start3A_90 : memref<8x128xf32, #tpu.memory_space<hbm>>) target_semaphore(%arg7 : memref<!tpu.dma_semaphore, #tpu.memory_space<semaphore_mem>>)
      } else {
      }
      %rem3A_68 = arith.constant 2 : i32
      %rem3A_69 = arith.remsi %div3A_63, %rem3A_68 : i32
      %eq3A_70 = arith.constant 1 : i32
      %eq3A_71 = arith.cmpi eq, %rem3A_69, %eq3A_70 : i32
      %convert_element_type3A_72 = arith.extui %eq3A_71 : i1 to i32
      %cond3A_73 = arith.constant 0 : i32
      %cond3A_74 = arith.cmpi ne, %convert_element_type3A_72, %cond3A_73 : i32
      scf.if %cond3A_74 {
        %add3A_75 = arith.constant 0 : i32
        %add3A_76 = arith.addi %div3A_63, %add3A_75 : i32
        %rem3A_77 = arith.constant 32 : i32
        %rem3A_78 = arith.remsi %add3A_76, %rem3A_77 : i32
        %div3A_79 = arith.constant 2 : i32
        %div3A_80 = arith.divsi %rem3A_78, %div3A_79 : i32
        %rem3A_81 = arith.constant 2 : i32
        %rem3A_82 = arith.remsi %rem3A_78, %rem3A_81 : i32
        %add3A_83 = arith.constant 0 : i32
        %add3A_84 = arith.addi %multiple_of3A, %add3A_83 : i32
        %mul3A_85 = arith.constant 16 : i32
        %mul3A_86 = arith.muli %add3A_57, %mul3A_85 : i32
        %add3A_87 = arith.addi %mul3A_86, %div3A_80 : i32
        %mul3A_88 = arith.constant 64 : i32
        %mul3A_89 = arith.muli %mul3A_88, %rem3A_82 : i32
        %dma_start3A_90 = arith.constant 0 : i32
        %dma_start3A_91 = tpu.memref_slice %arg5[%dma_start3A_90, %scan3A_56, %add3A_84] : memref<8x32x256xf32, #tpu.memory_space<vmem>> -> memref<8x1x64xf32, #tpu.memory_space<vmem>>
        %dma_start3A_92 = tpu.memref_squeeze %dma_start3A_91 : memref<8x1x64xf32, #tpu.memory_space<vmem>> -> memref<8x64xf32, #tpu.memory_space<vmem>>
        %dma_start3A_93 = arith.constant 0 : i32
        %dma_start3A_94 = tpu.memref_slice %arg4[%add3A_87, %dma_start3A_93, %mul3A_89] : memref<32768x8x128xf32, #tpu.memory_space<hbm>> -> memref<1x8x64xf32, #tpu.memory_space<hbm>>
        %dma_start3A_95 = tpu.memref_squeeze %dma_start3A_94 : memref<1x8x64xf32, #tpu.memory_space<hbm>> -> memref<8x64xf32, #tpu.memory_space<hbm>>
        %dma_start3A_96 = arith.constant 0 : i32
        %dma_start3A_97 = tpu.memref_slice %arg4[%add3A_87, %dma_start3A_96, %mul3A_89] : memref<32768x8x128xf32, #tpu.memory_space<hbm>> -> memref<1x8x64xf32, #tpu.memory_space<hbm>>
        %dma_start3A_98 = tpu.memref_squeeze %dma_start3A_97 : memref<1x8x64xf32, #tpu.memory_space<hbm>> -> memref<8x64xf32, #tpu.memory_space<hbm>>
        %dma_start3A_99 = arith.constant 0 : i32
        %dma_start3A_100 = tpu.memref_slice %arg5[%dma_start3A_99, %scan3A_56, %add3A_84] : memref<8x32x256xf32, #tpu.memory_space<vmem>> -> memref<8x1x64xf32, #tpu.memory_space<vmem>>
        %dma_start3A_101 = tpu.memref_squeeze %dma_start3A_100 : memref<8x1x64xf32, #tpu.memory_space<vmem>> -> memref<8x64xf32, #tpu.memory_space<vmem>>
        tpu.enqueue_dma source(%dma_start3A_101 : memref<8x64xf32, #tpu.memory_space<vmem>>) target(%dma_start3A_98 : memref<8x64xf32, #tpu.memory_space<hbm>>) target_semaphore(%arg7 : memref<!tpu.dma_semaphore, #tpu.memory_space<semaphore_mem>>)
        %add3A_102 = arith.constant 1 : i32
        %add3A_103 = arith.addi %div3A_63, %add3A_102 : i32
        %rem3A_104 = arith.constant 32 : i32
        %rem3A_105 = arith.remsi %add3A_103, %rem3A_104 : i32
        %div3A_106 = arith.constant 2 : i32
        %div3A_107 = arith.divsi %rem3A_105, %div3A_106 : i32
        %rem3A_108 = arith.constant 2 : i32
        %rem3A_109 = arith.remsi %rem3A_105, %rem3A_108 : i32
        %add3A_110 = arith.constant 64 : i32
        %add3A_111 = arith.addi %multiple_of3A, %add3A_110 : i32
        %mul3A_112 = arith.constant 16 : i32
        %mul3A_113 = arith.muli %add3A_57, %mul3A_112 : i32
        %add3A_114 = arith.addi %mul3A_113, %div3A_107 : i32
        %mul3A_115 = arith.constant 64 : i32
        %mul3A_116 = arith.muli %mul3A_115, %rem3A_109 : i32
        %dma_start3A_117 = arith.constant 0 : i32
        %dma_start3A_118 = tpu.memref_slice %arg5[%dma_start3A_117, %scan3A_56, %add3A_111] : memref<8x32x256xf32, #tpu.memory_space<vmem>> -> memref<8x1x64xf32, #tpu.memory_space<vmem>>
        %dma_start3A_119 = tpu.memref_squeeze %dma_start3A_118 : memref<8x1x64xf32, #tpu.memory_space<vmem>> -> memref<8x64xf32, #tpu.memory_space<vmem>>
        %dma_start3A_120 = arith.constant 0 : i32
        %dma_start3A_121 = tpu.memref_slice %arg4[%add3A_114, %dma_start3A_120, %mul3A_116] : memref<32768x8x128xf32, #tpu.memory_space<hbm>> -> memref<1x8x64xf32, #tpu.memory_space<hbm>>
        %dma_start3A_122 = tpu.memref_squeeze %dma_start3A_121 : memref<1x8x64xf32, #tpu.memory_space<hbm>> -> memref<8x64xf32, #tpu.memory_space<hbm>>
        %dma_start3A_123 = arith.constant 0 : i32
        %dma_start3A_124 = tpu.memref_slice %arg4[%add3A_114, %dma_start3A_123, %mul3A_116] : memref<32768x8x128xf32, #tpu.memory_space<hbm>> -> memref<1x8x64xf32, #tpu.memory_space<hbm>>
        %dma_start3A_125 = tpu.memref_squeeze %dma_start3A_124 : memref<1x8x64xf32, #tpu.memory_space<hbm>> -> memref<8x64xf32, #tpu.memory_space<hbm>>
        %dma_start3A_126 = arith.constant 0 : i32
        %dma_start3A_127 = tpu.memref_slice %arg5[%dma_start3A_126, %scan3A_56, %add3A_111] : memref<8x32x256xf32, #tpu.memory_space<vmem>> -> memref<8x1x64xf32, #tpu.memory_space<vmem>>
        %dma_start3A_128 = tpu.memref_squeeze %dma_start3A_127 : memref<8x1x64xf32, #tpu.memory_space<vmem>> -> memref<8x64xf32, #tpu.memory_space<vmem>>
        tpu.enqueue_dma source(%dma_start3A_128 : memref<8x64xf32, #tpu.memory_space<vmem>>) target(%dma_start3A_125 : memref<8x64xf32, #tpu.memory_space<hbm>>) target_semaphore(%arg7 : memref<!tpu.dma_semaphore, #tpu.memory_space<semaphore_mem>>)
      } else {
      }
    }
    %scan3A_35 = arith.constant 32 : i32
    %scan3A_36 = arith.constant 0 : i32
    %scan3A_37 = arith.constant 0 : i32
    %scan3A_38 = arith.constant 64 : i32
    %scan3A_39 = arith.addi %scan3A_37, %scan3A_38 : i32
    %scan3A_40 = arith.constant 1 : i32
    scf.for %scan3A_56 = %scan3A_37 to %scan3A_39 step %scan3A_40  : i32 {
      %dma_wait3A_57 = arith.constant 0 : i32
      %dma_wait3A_58 = arith.constant 0 : i32
      %dma_wait3A_59 = arith.constant 0 : i32
      %dma_wait3A_60 = arith.constant 0 : i32
      %dma_wait3A_61 = tpu.memref_slice %arg5[%dma_wait3A_59, %dma_wait3A_58, %dma_wait3A_60] : memref<8x32x256xf32, #tpu.memory_space<vmem>> -> memref<8x1x64xf32, #tpu.memory_space<vmem>>
      %dma_wait3A_62 = tpu.memref_squeeze %dma_wait3A_61 : memref<8x1x64xf32, #tpu.memory_space<vmem>> -> memref<8x64xf32, #tpu.memory_space<vmem>>
      %dma_wait3A_63 = arith.constant 0 : i32
      %dma_wait3A_64 = arith.constant 0 : i32
      %dma_wait3A_65 = tpu.memref_slice %arg2[%dma_wait3A_63, %dma_wait3A_57, %dma_wait3A_64] : memref<8x2048x128xf32, #tpu.memory_space<hbm>> -> memref<8x1x64xf32, #tpu.memory_space<hbm>>
      %dma_wait3A_66 = tpu.memref_squeeze %dma_wait3A_65 : memref<8x1x64xf32, #tpu.memory_space<hbm>> -> memref<8x64xf32, #tpu.memory_space<hbm>>
      %dma_wait3A_67 = arith.constant 0 : i32
      %dma_wait3A_68 = arith.constant 0 : i32
      %dma_wait3A_69 = tpu.memref_slice %arg5[%dma_wait3A_67, %dma_wait3A_58, %dma_wait3A_68] : memref<8x32x256xf32, #tpu.memory_space<vmem>> -> memref<8x1x64xf32, #tpu.memory_space<vmem>>
      %dma_wait3A_70 = tpu.memref_squeeze %dma_wait3A_69 : memref<8x1x64xf32, #tpu.memory_space<vmem>> -> memref<8x64xf32, #tpu.memory_space<vmem>>
      %dma_wait3A_71 = arith.constant 0 : i32
      %dma_wait3A_72 = arith.constant 0 : i32
      %dma_wait3A_73 = tpu.memref_slice %arg2[%dma_wait3A_71, %dma_wait3A_57, %dma_wait3A_72] : memref<8x2048x128xf32, #tpu.memory_space<hbm>> -> memref<8x1x64xf32, #tpu.memory_space<hbm>>
      %dma_wait3A_74 = tpu.memref_squeeze %dma_wait3A_73 : memref<8x1x64xf32, #tpu.memory_space<hbm>> -> memref<8x64xf32, #tpu.memory_space<hbm>>
      tpu.wait_dma2 semaphore(%arg7 : memref<!tpu.dma_semaphore, #tpu.memory_space<semaphore_mem>>) src(%dma_wait3A_74 : memref<8x64xf32, #tpu.memory_space<hbm>>) dst(%dma_wait3A_70 : memref<8x64xf32, #tpu.memory_space<vmem>>)
    }
    %scan3A_41 = arith.constant 64 : i32
    %add3A_42 = arith.constant 32 : i32
    %add3A_43 = arith.addi %mul3A_2, %add3A_42 : i32
    "tpu.region"() ({
      %run_scoped3A = tpu.sem_alloc : memref<!tpu.dma_semaphore, #tpu.memory_space<semaphore_mem>>
      %dma_start3A_56 = arith.constant 0 : i32
      %dma_start3A_57 = arith.constant 0 : i32
      %dma_start3A_58 = arith.constant 128 : i32
      %dma_start3A_59 = tpu.memref_slice %arg5[%dma_start3A_56, %dma_start3A_57, %dma_start3A_58] : memref<8x32x256xf32, #tpu.memory_space<vmem>> -> memref<8x32x128xf32, #tpu.memory_space<vmem>>
      %dma_start3A_60 = arith.constant 0 : i32
      %dma_start3A_61 = arith.constant 0 : i32
      %dma_start3A_62 = tpu.memref_slice %arg2[%dma_start3A_60, %add3A_43, %dma_start3A_61] : memref<8x2048x128xf32, #tpu.memory_space<hbm>> -> memref<8x32x128xf32, #tpu.memory_space<hbm>>
      %dma_start3A_63 = arith.constant 0 : i32
      %dma_start3A_64 = arith.constant 0 : i32
      %dma_start3A_65 = arith.constant 128 : i32
      %dma_start3A_66 = tpu.memref_slice %arg5[%dma_start3A_63, %dma_start3A_64, %dma_start3A_65] : memref<8x32x256xf32, #tpu.memory_space<vmem>> -> memref<8x32x128xf32, #tpu.memory_space<vmem>>
      %dma_start3A_67 = arith.constant 0 : i32
      %dma_start3A_68 = arith.constant 0 : i32
      %dma_start3A_69 = tpu.memref_slice %arg2[%dma_start3A_67, %add3A_43, %dma_start3A_68] : memref<8x2048x128xf32, #tpu.memory_space<hbm>> -> memref<8x32x128xf32, #tpu.memory_space<hbm>>
      tpu.enqueue_dma source(%dma_start3A_69 : memref<8x32x128xf32, #tpu.memory_space<hbm>>) target(%dma_start3A_66 : memref<8x32x128xf32, #tpu.memory_space<vmem>>) target_semaphore(%run_scoped3A : memref<!tpu.dma_semaphore, #tpu.memory_space<semaphore_mem>>)
      %dma_wait3A_70 = arith.constant 0 : i32
      %dma_wait3A_71 = arith.constant 0 : i32
      %dma_wait3A_72 = arith.constant 128 : i32
      %dma_wait3A_73 = tpu.memref_slice %arg5[%dma_wait3A_70, %dma_wait3A_71, %dma_wait3A_72] : memref<8x32x256xf32, #tpu.memory_space<vmem>> -> memref<8x32x128xf32, #tpu.memory_space<vmem>>
      %dma_wait3A_74 = arith.constant 0 : i32
      %dma_wait3A_75 = arith.constant 0 : i32
      %dma_wait3A_76 = tpu.memref_slice %arg2[%dma_wait3A_74, %add3A_43, %dma_wait3A_75] : memref<8x2048x128xf32, #tpu.memory_space<hbm>> -> memref<8x32x128xf32, #tpu.memory_space<hbm>>
      %dma_wait3A_77 = arith.constant 0 : i32
      %dma_wait3A_78 = arith.constant 0 : i32
      %dma_wait3A_79 = arith.constant 128 : i32
      %dma_wait3A_80 = tpu.memref_slice %arg5[%dma_wait3A_77, %dma_wait3A_78, %dma_wait3A_79] : memref<8x32x256xf32, #tpu.memory_space<vmem>> -> memref<8x32x128xf32, #tpu.memory_space<vmem>>
      %dma_wait3A_81 = arith.constant 0 : i32
      %dma_wait3A_82 = arith.constant 0 : i32
      %dma_wait3A_83 = tpu.memref_slice %arg2[%dma_wait3A_81, %add3A_43, %dma_wait3A_82] : memref<8x2048x128xf32, #tpu.memory_space<hbm>> -> memref<8x32x128xf32, #tpu.memory_space<hbm>>
      tpu.wait_dma2 semaphore(%run_scoped3A : memref<!tpu.dma_semaphore, #tpu.memory_space<semaphore_mem>>) src(%dma_wait3A_83 : memref<8x32x128xf32, #tpu.memory_space<hbm>>) dst(%dma_wait3A_80 : memref<8x32x128xf32, #tpu.memory_space<vmem>>)
      tpu.yield
    }) : () -> ()
    %scan3A_44 = arith.constant 0 : i32
    %scan3A_45 = arith.constant 0 : i32
    %scan3A_46 = arith.constant 32 : i32
    %scan3A_47 = arith.addi %scan3A_45, %scan3A_46 : i32
    %scan3A_48 = arith.constant 1 : i32
    scf.for %scan3A_56 = %scan3A_45 to %scan3A_47 step %scan3A_48  : i32 {
      %add3A_57 = arith.addi %add3A_43, %scan3A_56 : i32
      %rem3A = arith.constant 8 : i32
      %rem3A_58 = arith.remsi %add3A_57, %rem3A : i32
      %add3A_59 = arith.constant 128 : i32
      %add3A_60 = arith.addi %add3A_59, %rem3A_58 : i32
      %rem3A_61 = arith.constant 64 : i32
      %rem3A_62 = arith.remsi %add3A_57, %rem3A_61 : i32
      %sub3A = arith.subi %add3A_60, %rem3A_62 : i32
      %multiple_of3A = tpu.assume_multiple %sub3A, 8 : i32
      %div3A = arith.constant 64 : i32
      %div3A_63 = arith.divsi %add3A_57, %div3A : i32
      %rem3A_64 = arith.constant 2 : i32
      %rem3A_65 = arith.remsi %div3A_63, %rem3A_64 : i32
      %eq3A = arith.constant 0 : i32
      %eq3A_66 = arith.cmpi eq, %rem3A_65, %eq3A : i32
      %convert_element_type3A = arith.extui %eq3A_66 : i1 to i32
      %cond3A = arith.constant 0 : i32
      %cond3A_67 = arith.cmpi ne, %convert_element_type3A, %cond3A : i32
      scf.if %cond3A_67 {
        %mul3A_75 = arith.constant 16 : i32
        %mul3A_76 = arith.muli %add3A_57, %mul3A_75 : i32
        %div3A_77 = arith.constant 2 : i32
        %div3A_78 = arith.divsi %div3A_63, %div3A_77 : i32
        %add3A_79 = arith.addi %mul3A_76, %div3A_78 : i32
        %dma_start3A_80 = arith.constant 0 : i32
        %dma_start3A_81 = tpu.memref_slice %arg5[%dma_start3A_80, %scan3A_56, %multiple_of3A] : memref<8x32x256xf32, #tpu.memory_space<vmem>> -> memref<8x1x128xf32, #tpu.memory_space<vmem>>
        %dma_start3A_82 = tpu.memref_squeeze %dma_start3A_81 : memref<8x1x128xf32, #tpu.memory_space<vmem>> -> memref<8x128xf32, #tpu.memory_space<vmem>>
        %dma_start3A_83 = arith.constant 0 : i32
        %dma_start3A_84 = arith.constant 0 : i32
        %dma_start3A_85 = tpu.memref_slice %arg4[%add3A_79, %dma_start3A_83, %dma_start3A_84] : memref<32768x8x128xf32, #tpu.memory_space<hbm>> -> memref<1x8x128xf32, #tpu.memory_space<hbm>>
        %dma_start3A_86 = tpu.memref_squeeze %dma_start3A_85 : memref<1x8x128xf32, #tpu.memory_space<hbm>> -> memref<8x128xf32, #tpu.memory_space<hbm>>
        %dma_start3A_87 = arith.constant 0 : i32
        %dma_start3A_88 = arith.constant 0 : i32
        %dma_start3A_89 = tpu.memref_slice %arg4[%add3A_79, %dma_start3A_87, %dma_start3A_88] : memref<32768x8x128xf32, #tpu.memory_space<hbm>> -> memref<1x8x128xf32, #tpu.memory_space<hbm>>
        %dma_start3A_90 = tpu.memref_squeeze %dma_start3A_89 : memref<1x8x128xf32, #tpu.memory_space<hbm>> -> memref<8x128xf32, #tpu.memory_space<hbm>>
        %dma_start3A_91 = arith.constant 0 : i32
        %dma_start3A_92 = tpu.memref_slice %arg5[%dma_start3A_91, %scan3A_56, %multiple_of3A] : memref<8x32x256xf32, #tpu.memory_space<vmem>> -> memref<8x1x128xf32, #tpu.memory_space<vmem>>
        %dma_start3A_93 = tpu.memref_squeeze %dma_start3A_92 : memref<8x1x128xf32, #tpu.memory_space<vmem>> -> memref<8x128xf32, #tpu.memory_space<vmem>>
        tpu.enqueue_dma source(%dma_start3A_93 : memref<8x128xf32, #tpu.memory_space<vmem>>) target(%dma_start3A_90 : memref<8x128xf32, #tpu.memory_space<hbm>>) target_semaphore(%arg7 : memref<!tpu.dma_semaphore, #tpu.memory_space<semaphore_mem>>)
      } else {
      }
      %rem3A_68 = arith.constant 2 : i32
      %rem3A_69 = arith.remsi %div3A_63, %rem3A_68 : i32
      %eq3A_70 = arith.constant 1 : i32
      %eq3A_71 = arith.cmpi eq, %rem3A_69, %eq3A_70 : i32
      %convert_element_type3A_72 = arith.extui %eq3A_71 : i1 to i32
      %cond3A_73 = arith.constant 0 : i32
      %cond3A_74 = arith.cmpi ne, %convert_element_type3A_72, %cond3A_73 : i32
      scf.if %cond3A_74 {
        %add3A_75 = arith.constant 0 : i32
        %add3A_76 = arith.addi %div3A_63, %add3A_75 : i32
        %rem3A_77 = arith.constant 32 : i32
        %rem3A_78 = arith.remsi %add3A_76, %rem3A_77 : i32
        %div3A_79 = arith.constant 2 : i32
        %div3A_80 = arith.divsi %rem3A_78, %div3A_79 : i32
        %rem3A_81 = arith.constant 2 : i32
        %rem3A_82 = arith.remsi %rem3A_78, %rem3A_81 : i32
        %add3A_83 = arith.constant 0 : i32
        %add3A_84 = arith.addi %multiple_of3A, %add3A_83 : i32
        %mul3A_85 = arith.constant 16 : i32
        %mul3A_86 = arith.muli %add3A_57, %mul3A_85 : i32
        %add3A_87 = arith.addi %mul3A_86, %div3A_80 : i32
        %mul3A_88 = arith.constant 64 : i32
        %mul3A_89 = arith.muli %mul3A_88, %rem3A_82 : i32
        %dma_start3A_90 = arith.constant 0 : i32
        %dma_start3A_91 = tpu.memref_slice %arg5[%dma_start3A_90, %scan3A_56, %add3A_84] : memref<8x32x256xf32, #tpu.memory_space<vmem>> -> memref<8x1x64xf32, #tpu.memory_space<vmem>>
        %dma_start3A_92 = tpu.memref_squeeze %dma_start3A_91 : memref<8x1x64xf32, #tpu.memory_space<vmem>> -> memref<8x64xf32, #tpu.memory_space<vmem>>
        %dma_start3A_93 = arith.constant 0 : i32
        %dma_start3A_94 = tpu.memref_slice %arg4[%add3A_87, %dma_start3A_93, %mul3A_89] : memref<32768x8x128xf32, #tpu.memory_space<hbm>> -> memref<1x8x64xf32, #tpu.memory_space<hbm>>
        %dma_start3A_95 = tpu.memref_squeeze %dma_start3A_94 : memref<1x8x64xf32, #tpu.memory_space<hbm>> -> memref<8x64xf32, #tpu.memory_space<hbm>>
        %dma_start3A_96 = arith.constant 0 : i32
        %dma_start3A_97 = tpu.memref_slice %arg4[%add3A_87, %dma_start3A_96, %mul3A_89] : memref<32768x8x128xf32, #tpu.memory_space<hbm>> -> memref<1x8x64xf32, #tpu.memory_space<hbm>>
        %dma_start3A_98 = tpu.memref_squeeze %dma_start3A_97 : memref<1x8x64xf32, #tpu.memory_space<hbm>> -> memref<8x64xf32, #tpu.memory_space<hbm>>
        %dma_start3A_99 = arith.constant 0 : i32
        %dma_start3A_100 = tpu.memref_slice %arg5[%dma_start3A_99, %scan3A_56, %add3A_84] : memref<8x32x256xf32, #tpu.memory_space<vmem>> -> memref<8x1x64xf32, #tpu.memory_space<vmem>>
        %dma_start3A_101 = tpu.memref_squeeze %dma_start3A_100 : memref<8x1x64xf32, #tpu.memory_space<vmem>> -> memref<8x64xf32, #tpu.memory_space<vmem>>
        tpu.enqueue_dma source(%dma_start3A_101 : memref<8x64xf32, #tpu.memory_space<vmem>>) target(%dma_start3A_98 : memref<8x64xf32, #tpu.memory_space<hbm>>) target_semaphore(%arg7 : memref<!tpu.dma_semaphore, #tpu.memory_space<semaphore_mem>>)
        %add3A_102 = arith.constant 1 : i32
        %add3A_103 = arith.addi %div3A_63, %add3A_102 : i32
        %rem3A_104 = arith.constant 32 : i32
        %rem3A_105 = arith.remsi %add3A_103, %rem3A_104 : i32
        %div3A_106 = arith.constant 2 : i32
        %div3A_107 = arith.divsi %rem3A_105, %div3A_106 : i32
        %rem3A_108 = arith.constant 2 : i32
        %rem3A_109 = arith.remsi %rem3A_105, %rem3A_108 : i32
        %add3A_110 = arith.constant 64 : i32
        %add3A_111 = arith.addi %multiple_of3A, %add3A_110 : i32
        %mul3A_112 = arith.constant 16 : i32
        %mul3A_113 = arith.muli %add3A_57, %mul3A_112 : i32
        %add3A_114 = arith.addi %mul3A_113, %div3A_107 : i32
        %mul3A_115 = arith.constant 64 : i32
        %mul3A_116 = arith.muli %mul3A_115, %rem3A_109 : i32
        %dma_start3A_117 = arith.constant 0 : i32
        %dma_start3A_118 = tpu.memref_slice %arg5[%dma_start3A_117, %scan3A_56, %add3A_111] : memref<8x32x256xf32, #tpu.memory_space<vmem>> -> memref<8x1x64xf32, #tpu.memory_space<vmem>>
        %dma_start3A_119 = tpu.memref_squeeze %dma_start3A_118 : memref<8x1x64xf32, #tpu.memory_space<vmem>> -> memref<8x64xf32, #tpu.memory_space<vmem>>
        %dma_start3A_120 = arith.constant 0 : i32
        %dma_start3A_121 = tpu.memref_slice %arg4[%add3A_114, %dma_start3A_120, %mul3A_116] : memref<32768x8x128xf32, #tpu.memory_space<hbm>> -> memref<1x8x64xf32, #tpu.memory_space<hbm>>
        %dma_start3A_122 = tpu.memref_squeeze %dma_start3A_121 : memref<1x8x64xf32, #tpu.memory_space<hbm>> -> memref<8x64xf32, #tpu.memory_space<hbm>>
        %dma_start3A_123 = arith.constant 0 : i32
        %dma_start3A_124 = tpu.memref_slice %arg4[%add3A_114, %dma_start3A_123, %mul3A_116] : memref<32768x8x128xf32, #tpu.memory_space<hbm>> -> memref<1x8x64xf32, #tpu.memory_space<hbm>>
        %dma_start3A_125 = tpu.memref_squeeze %dma_start3A_124 : memref<1x8x64xf32, #tpu.memory_space<hbm>> -> memref<8x64xf32, #tpu.memory_space<hbm>>
        %dma_start3A_126 = arith.constant 0 : i32
        %dma_start3A_127 = tpu.memref_slice %arg5[%dma_start3A_126, %scan3A_56, %add3A_111] : memref<8x32x256xf32, #tpu.memory_space<vmem>> -> memref<8x1x64xf32, #tpu.memory_space<vmem>>
        %dma_start3A_128 = tpu.memref_squeeze %dma_start3A_127 : memref<8x1x64xf32, #tpu.memory_space<vmem>> -> memref<8x64xf32, #tpu.memory_space<vmem>>
        tpu.enqueue_dma source(%dma_start3A_128 : memref<8x64xf32, #tpu.memory_space<vmem>>) target(%dma_start3A_125 : memref<8x64xf32, #tpu.memory_space<hbm>>) target_semaphore(%arg7 : memref<!tpu.dma_semaphore, #tpu.memory_space<semaphore_mem>>)
      } else {
      }
    }
    %scan3A_49 = arith.constant 32 : i32
    %scan3A_50 = arith.constant 0 : i32
    %scan3A_51 = arith.constant 0 : i32
    %scan3A_52 = arith.constant 64 : i32
    %scan3A_53 = arith.addi %scan3A_51, %scan3A_52 : i32
    %scan3A_54 = arith.constant 1 : i32
    scf.for %scan3A_56 = %scan3A_51 to %scan3A_53 step %scan3A_54  : i32 {
      %dma_wait3A_57 = arith.constant 0 : i32
      %dma_wait3A_58 = arith.constant 0 : i32
      %dma_wait3A_59 = arith.constant 0 : i32
      %dma_wait3A_60 = arith.constant 0 : i32
      %dma_wait3A_61 = tpu.memref_slice %arg5[%dma_wait3A_59, %dma_wait3A_58, %dma_wait3A_60] : memref<8x32x256xf32, #tpu.memory_space<vmem>> -> memref<8x1x64xf32, #tpu.memory_space<vmem>>
      %dma_wait3A_62 = tpu.memref_squeeze %dma_wait3A_61 : memref<8x1x64xf32, #tpu.memory_space<vmem>> -> memref<8x64xf32, #tpu.memory_space<vmem>>
      %dma_wait3A_63 = arith.constant 0 : i32
      %dma_wait3A_64 = arith.constant 0 : i32
      %dma_wait3A_65 = tpu.memref_slice %arg2[%dma_wait3A_63, %dma_wait3A_57, %dma_wait3A_64] : memref<8x2048x128xf32, #tpu.memory_space<hbm>> -> memref<8x1x64xf32, #tpu.memory_space<hbm>>
      %dma_wait3A_66 = tpu.memref_squeeze %dma_wait3A_65 : memref<8x1x64xf32, #tpu.memory_space<hbm>> -> memref<8x64xf32, #tpu.memory_space<hbm>>
      %dma_wait3A_67 = arith.constant 0 : i32
      %dma_wait3A_68 = arith.constant 0 : i32
      %dma_wait3A_69 = tpu.memref_slice %arg5[%dma_wait3A_67, %dma_wait3A_58, %dma_wait3A_68] : memref<8x32x256xf32, #tpu.memory_space<vmem>> -> memref<8x1x64xf32, #tpu.memory_space<vmem>>
      %dma_wait3A_70 = tpu.memref_squeeze %dma_wait3A_69 : memref<8x1x64xf32, #tpu.memory_space<vmem>> -> memref<8x64xf32, #tpu.memory_space<vmem>>
      %dma_wait3A_71 = arith.constant 0 : i32
      %dma_wait3A_72 = arith.constant 0 : i32
      %dma_wait3A_73 = tpu.memref_slice %arg2[%dma_wait3A_71, %dma_wait3A_57, %dma_wait3A_72] : memref<8x2048x128xf32, #tpu.memory_space<hbm>> -> memref<8x1x64xf32, #tpu.memory_space<hbm>>
      %dma_wait3A_74 = tpu.memref_squeeze %dma_wait3A_73 : memref<8x1x64xf32, #tpu.memory_space<hbm>> -> memref<8x64xf32, #tpu.memory_space<hbm>>
      tpu.wait_dma2 semaphore(%arg7 : memref<!tpu.dma_semaphore, #tpu.memory_space<semaphore_mem>>) src(%dma_wait3A_74 : memref<8x64xf32, #tpu.memory_space<hbm>>) dst(%dma_wait3A_70 : memref<8x64xf32, #tpu.memory_space<vmem>>)
    }
    %scan3A_55 = arith.constant 64 : i32
    return
  }
}

module attributes {stable_mosaic.version = 14 : i64} {
  func.func @_matmul_body(%arg0: i32, %arg1: memref<128x1024xf32, #tpu.memory_space<vmem>>, %arg2: memref<1024x512xf32, #tpu.memory_space<vmem>>, %arg3: memref<1x512xf32, #tpu.memory_space<vmem>>, %arg4: memref<8x128x128xf32, #tpu.memory_space<vmem>>, %arg5: memref<2048x8x128xf32, #tpu.memory_space<vmem>>, %arg6: memref<1024x1024xf32, #tpu.memory_space<vmem>>, %arg7: memref<1x1024xf32, #tpu.memory_space<vmem>>) attributes {dimension_semantics = [#tpu.dimension_semantics<arbitrary>], iteration_bounds = array<i64: 16>, scalar_prefetch = 0 : i64, scratch_operands = 2 : i64, tpu.core_type = #tpu.core_type<tc>, window_params = [{transform_indices = @transform_0, window_bounds = array<i64: 128, 1024>}, {pipeline_mode = #tpu.pipeline_mode<synchronous>, transform_indices = @transform_1, window_bounds = array<i64: 1024, 512>}, {pipeline_mode = #tpu.pipeline_mode<synchronous>, transform_indices = @transform_2, window_bounds = array<i64: 1, 512>}, {transform_indices = @transform_3, window_bounds = array<i64: 8, 128, 128>}, {transform_indices = @transform_4, window_bounds = array<i64: 2048, 8, 128>}]} {
    %eq3A = arith.constant 0 : i32
    %eq3A_0 = arith.cmpi eq, %arg0, %eq3A : i32
    %convert_element_type3A = arith.extui %eq3A_0 : i1 to i32
    %cond3A = arith.constant 0 : i32
    %cond3A_1 = arith.cmpi ne, %convert_element_type3A, %cond3A : i32
    scf.if %cond3A_1 {
      %iota3A_120 = tpu.iota {dimensions = array<i32: 0>} : vector<512x1024xi32>
      %iota3A_121 = tpu.iota {dimensions = array<i32: 1>} : vector<512x1024xi32>
      %rem3A_122 = arith.constant 128 : i32
      %rem3A_123 = vector.broadcast %rem3A_122 : i32 to vector<512x1024xi32>
      %rem3A_124 = arith.remsi %iota3A_121, %rem3A_123 : vector<512x1024xi32>
      %mul3A = arith.constant 8 : i32
      %mul3A_125 = vector.broadcast %mul3A : i32 to vector<512x1024xi32>
      %mul3A_126 = arith.muli %mul3A_125, %rem3A_124 : vector<512x1024xi32>
      %div3A = arith.constant 128 : i32
      %div3A_127 = vector.broadcast %div3A : i32 to vector<512x1024xi32>
      %div3A_128 = arith.divsi %iota3A_121, %div3A_127 : vector<512x1024xi32>
      %add3A_129 = arith.addi %mul3A_126, %div3A_128 : vector<512x1024xi32>
      %eq3A_130 = arith.cmpi eq, %iota3A_120, %add3A_129 : vector<512x1024xi32>
      %convert_element_type3A_131 = arith.extui %eq3A_130 : vector<512x1024xi1> to vector<512x1024xi32>
      %convert_element_type3A_132 = arith.sitofp %convert_element_type3A_131 : vector<512x1024xi32> to vector<512x1024xf32>
      %get3A_133 = arith.constant 0 : index
      %get3A_134 = arith.constant 0 : index
      %get3A_135 = vector.load %arg2[%get3A_133, %get3A_134] : memref<1024x512xf32, #tpu.memory_space<vmem>>, vector<1024x512xf32>
      %dot_general3A_136 = arith.constant dense<0.000000e+00> : vector<1024x1024xf32>
      %dot_general3A_137 = tpu.matmul %get3A_135, %convert_element_type3A_132, %dot_general3A_136 {dimension_numbers = #tpu.dot_dimension_numbers<[1], [0], [0], [1], [0, 0, 1, 1], [], []>, transpose_lhs_hint = false} : vector<1024x512xf32>, vector<512x1024xf32>, vector<1024x1024xf32> -> vector<1024x1024xf32>
      %swap3A_138 = arith.constant 0 : index
      %swap3A_139 = arith.constant 0 : index
      %swap3A_140 = vector.load %arg6[%swap3A_138, %swap3A_139] : memref<1024x1024xf32, #tpu.memory_space<vmem>>, vector<1024x1024xf32>
      tpu.vector_store %arg6[%swap3A_138, %swap3A_139], %dot_general3A_137 {strides = array<i32>} : memref<1024x1024xf32, #tpu.memory_space<vmem>>, vector<1024x1024xf32>,
      %get3A_141 = arith.constant 0 : index
      %get3A_142 = arith.constant 0 : index
      %get3A_143 = vector.load %arg3[%get3A_141, %get3A_142] : memref<1x512xf32, #tpu.memory_space<vmem>>, vector<1x512xf32>
      %dot_general3A_144 = arith.constant dense<0.000000e+00> : vector<1x1024xf32>
      %dot_general3A_145 = tpu.matmul %get3A_143, %convert_element_type3A_132, %dot_general3A_144 {dimension_numbers = #tpu.dot_dimension_numbers<[1], [0], [0], [1], [0, 0, 1, 1], [], []>, transpose_lhs_hint = false} : vector<1x512xf32>, vector<512x1024xf32>, vector<1x1024xf32> -> vector<1x1024xf32>
      %swap3A_146 = arith.constant 0 : index
      %swap3A_147 = arith.constant 0 : index
      %swap3A_148 = vector.load %arg7[%swap3A_146, %swap3A_147] : memref<1x1024xf32, #tpu.memory_space<vmem>>, vector<1x1024xf32>
      tpu.vector_store %arg7[%swap3A_146, %swap3A_147], %dot_general3A_145 {strides = array<i32>} : memref<1x1024xf32, #tpu.memory_space<vmem>>, vector<1x1024xf32>,
    } else {
    }
    %get3A = arith.constant 0 : index
    %get3A_2 = arith.constant 0 : index
    %get3A_3 = vector.load %arg1[%get3A, %get3A_2] : memref<128x1024xf32, #tpu.memory_space<vmem>>, vector<128x1024xf32>
    %get3A_4 = arith.constant 0 : index
    %get3A_5 = arith.constant 0 : index
    %get3A_6 = vector.load %arg6[%get3A_4, %get3A_5] : memref<1024x1024xf32, #tpu.memory_space<vmem>>, vector<1024x1024xf32>
    %dot_general3A = arith.constant dense<0.000000e+00> : vector<128x1024xf32>
    %dot_general3A_7 = tpu.matmul %get3A_3, %get3A_6, %dot_general3A {dimension_numbers = #tpu.dot_dimension_numbers<[1], [0], [0], [1], [0, 0, 1, 1], [], []>, transpose_lhs_hint = false} : vector<128x1024xf32>, vector<1024x1024xf32>, vector<128x1024xf32> -> vector<128x1024xf32>
    %get3A_8 = arith.constant 0 : index
    %get3A_9 = arith.constant 0 : index
    %get3A_10 = vector.load %arg7[%get3A_8, %get3A_9] : memref<1x1024xf32, #tpu.memory_space<vmem>>, vector<1x1024xf32>
    %add3A = vector.broadcast %get3A_10 : vector<1x1024xf32> to vector<128x1024xf32>
    %add3A_11 = arith.addf %dot_general3A_7, %add3A : vector<128x1024xf32>
    %iota3A = tpu.iota {dimensions = array<i32: 0>} : vector<128x1024xi32>
    %rem3A = arith.constant 8 : i32
    %rem3A_12 = vector.broadcast %rem3A : i32 to vector<128x1024xi32>
    %rem3A_13 = arith.remsi %iota3A, %rem3A_12 : vector<128x1024xi32>
    %eq3A_14 = arith.constant 1 : i32
    %eq3A_15 = vector.broadcast %eq3A_14 : i32 to vector<128x1024xi32>
    %eq3A_16 = arith.cmpi eq, %rem3A_13, %eq3A_15 : vector<128x1024xi32>
    %slice3A = vector.extract_strided_slice %add3A_11 {offsets = [0, 1023], sizes = [128, 1], strides = [1, 1]} : vector<128x1024xf32> to vector<128x1xf32>
    %slice3A_17 = vector.extract_strided_slice %add3A_11 {offsets = [0, 0], sizes = [128, 1023], strides = [1, 1]} : vector<128x1024xf32> to vector<128x1023xf32>
    %concatenate3A = tpu.concatenate %slice3A, %slice3A_17 in 1 : vector<128x1xf32>, vector<128x1023xf32> -> vector<128x1024xf32>
    %select_n3A = arith.select %eq3A_16, %concatenate3A, %add3A_11 : vector<128x1024xi1>, vector<128x1024xf32>
    %eq3A_18 = arith.constant 2 : i32
    %eq3A_19 = vector.broadcast %eq3A_18 : i32 to vector<128x1024xi32>
    %eq3A_20 = arith.cmpi eq, %rem3A_13, %eq3A_19 : vector<128x1024xi32>
    %slice3A_21 = vector.extract_strided_slice %add3A_11 {offsets = [0, 1022], sizes = [128, 2], strides = [1, 1]} : vector<128x1024xf32> to vector<128x2xf32>
    %slice3A_22 = vector.extract_strided_slice %add3A_11 {offsets = [0, 0], sizes = [128, 1022], strides = [1, 1]} : vector<128x1024xf32> to vector<128x1022xf32>
    %concatenate3A_23 = tpu.concatenate %slice3A_21, %slice3A_22 in 1 : vector<128x2xf32>, vector<128x1022xf32> -> vector<128x1024xf32>
    %select_n3A_24 = arith.select %eq3A_20, %concatenate3A_23, %select_n3A : vector<128x1024xi1>, vector<128x1024xf32>
    %eq3A_25 = arith.constant 3 : i32
    %eq3A_26 = vector.broadcast %eq3A_25 : i32 to vector<128x1024xi32>
    %eq3A_27 = arith.cmpi eq, %rem3A_13, %eq3A_26 : vector<128x1024xi32>
    %slice3A_28 = vector.extract_strided_slice %add3A_11 {offsets = [0, 1021], sizes = [128, 3], strides = [1, 1]} : vector<128x1024xf32> to vector<128x3xf32>
    %slice3A_29 = vector.extract_strided_slice %add3A_11 {offsets = [0, 0], sizes = [128, 1021], strides = [1, 1]} : vector<128x1024xf32> to vector<128x1021xf32>
    %concatenate3A_30 = tpu.concatenate %slice3A_28, %slice3A_29 in 1 : vector<128x3xf32>, vector<128x1021xf32> -> vector<128x1024xf32>
    %select_n3A_31 = arith.select %eq3A_27, %concatenate3A_30, %select_n3A_24 : vector<128x1024xi1>, vector<128x1024xf32>
    %eq3A_32 = arith.constant 4 : i32
    %eq3A_33 = vector.broadcast %eq3A_32 : i32 to vector<128x1024xi32>
    %eq3A_34 = arith.cmpi eq, %rem3A_13, %eq3A_33 : vector<128x1024xi32>
    %slice3A_35 = vector.extract_strided_slice %add3A_11 {offsets = [0, 1020], sizes = [128, 4], strides = [1, 1]} : vector<128x1024xf32> to vector<128x4xf32>
    %slice3A_36 = vector.extract_strided_slice %add3A_11 {offsets = [0, 0], sizes = [128, 1020], strides = [1, 1]} : vector<128x1024xf32> to vector<128x1020xf32>
    %concatenate3A_37 = tpu.concatenate %slice3A_35, %slice3A_36 in 1 : vector<128x4xf32>, vector<128x1020xf32> -> vector<128x1024xf32>
    %select_n3A_38 = arith.select %eq3A_34, %concatenate3A_37, %select_n3A_31 : vector<128x1024xi1>, vector<128x1024xf32>
    %eq3A_39 = arith.constant 5 : i32
    %eq3A_40 = vector.broadcast %eq3A_39 : i32 to vector<128x1024xi32>
    %eq3A_41 = arith.cmpi eq, %rem3A_13, %eq3A_40 : vector<128x1024xi32>
    %slice3A_42 = vector.extract_strided_slice %add3A_11 {offsets = [0, 1019], sizes = [128, 5], strides = [1, 1]} : vector<128x1024xf32> to vector<128x5xf32>
    %slice3A_43 = vector.extract_strided_slice %add3A_11 {offsets = [0, 0], sizes = [128, 1019], strides = [1, 1]} : vector<128x1024xf32> to vector<128x1019xf32>
    %concatenate3A_44 = tpu.concatenate %slice3A_42, %slice3A_43 in 1 : vector<128x5xf32>, vector<128x1019xf32> -> vector<128x1024xf32>
    %select_n3A_45 = arith.select %eq3A_41, %concatenate3A_44, %select_n3A_38 : vector<128x1024xi1>, vector<128x1024xf32>
    %eq3A_46 = arith.constant 6 : i32
    %eq3A_47 = vector.broadcast %eq3A_46 : i32 to vector<128x1024xi32>
    %eq3A_48 = arith.cmpi eq, %rem3A_13, %eq3A_47 : vector<128x1024xi32>
    %slice3A_49 = vector.extract_strided_slice %add3A_11 {offsets = [0, 1018], sizes = [128, 6], strides = [1, 1]} : vector<128x1024xf32> to vector<128x6xf32>
    %slice3A_50 = vector.extract_strided_slice %add3A_11 {offsets = [0, 0], sizes = [128, 1018], strides = [1, 1]} : vector<128x1024xf32> to vector<128x1018xf32>
    %concatenate3A_51 = tpu.concatenate %slice3A_49, %slice3A_50 in 1 : vector<128x6xf32>, vector<128x1018xf32> -> vector<128x1024xf32>
    %select_n3A_52 = arith.select %eq3A_48, %concatenate3A_51, %select_n3A_45 : vector<128x1024xi1>, vector<128x1024xf32>
    %eq3A_53 = arith.constant 7 : i32
    %eq3A_54 = vector.broadcast %eq3A_53 : i32 to vector<128x1024xi32>
    %eq3A_55 = arith.cmpi eq, %rem3A_13, %eq3A_54 : vector<128x1024xi32>
    %slice3A_56 = vector.extract_strided_slice %add3A_11 {offsets = [0, 1017], sizes = [128, 7], strides = [1, 1]} : vector<128x1024xf32> to vector<128x7xf32>
    %slice3A_57 = vector.extract_strided_slice %add3A_11 {offsets = [0, 0], sizes = [128, 1017], strides = [1, 1]} : vector<128x1024xf32> to vector<128x1017xf32>
    %concatenate3A_58 = tpu.concatenate %slice3A_56, %slice3A_57 in 1 : vector<128x7xf32>, vector<128x1017xf32> -> vector<128x1024xf32>
    %select_n3A_59 = arith.select %eq3A_55, %concatenate3A_58, %select_n3A_52 : vector<128x1024xi1>, vector<128x1024xf32>
    %slice3A_60 = vector.extract_strided_slice %select_n3A_59 {offsets = [0, 0], sizes = [128, 128], strides = [1, 1]} : vector<128x1024xf32> to vector<128x128xf32>
    %swap3A = arith.constant 0 : index
    %swap3A_61 = arith.constant 0 : index
    %swap3A_62 = arith.constant 0 : index
    %swap3A_63 = vector.load %arg4[%swap3A, %swap3A_61, %swap3A_62] : memref<8x128x128xf32, #tpu.memory_space<vmem>>, vector<1x128x128xf32>
    %swap3A_64 = vector.shape_cast %swap3A_63 : vector<1x128x128xf32> to vector<128x128xf32>
    %swap3A_65 = vector.shape_cast %slice3A_60 : vector<128x128xf32> to vector<1x128x128xf32>
    tpu.vector_store %arg4[%swap3A, %swap3A_61, %swap3A_62], %swap3A_65 {strides = array<i32>} : memref<8x128x128xf32, #tpu.memory_space<vmem>>, vector<1x128x128xf32>,
    %slice3A_66 = vector.extract_strided_slice %select_n3A_59 {offsets = [0, 128], sizes = [128, 128], strides = [1, 1]} : vector<128x1024xf32> to vector<128x128xf32>
    %swap3A_67 = arith.constant 1 : index
    %swap3A_68 = arith.constant 0 : index
    %swap3A_69 = arith.constant 0 : index
    %swap3A_70 = vector.load %arg4[%swap3A_67, %swap3A_68, %swap3A_69] : memref<8x128x128xf32, #tpu.memory_space<vmem>>, vector<1x128x128xf32>
    %swap3A_71 = vector.shape_cast %swap3A_70 : vector<1x128x128xf32> to vector<128x128xf32>
    %swap3A_72 = vector.shape_cast %slice3A_66 : vector<128x128xf32> to vector<1x128x128xf32>
    tpu.vector_store %arg4[%swap3A_67, %swap3A_68, %swap3A_69], %swap3A_72 {strides = array<i32>} : memref<8x128x128xf32, #tpu.memory_space<vmem>>, vector<1x128x128xf32>,
    %slice3A_73 = vector.extract_strided_slice %select_n3A_59 {offsets = [0, 256], sizes = [128, 128], strides = [1, 1]} : vector<128x1024xf32> to vector<128x128xf32>
    %swap3A_74 = arith.constant 2 : index
    %swap3A_75 = arith.constant 0 : index
    %swap3A_76 = arith.constant 0 : index
    %swap3A_77 = vector.load %arg4[%swap3A_74, %swap3A_75, %swap3A_76] : memref<8x128x128xf32, #tpu.memory_space<vmem>>, vector<1x128x128xf32>
    %swap3A_78 = vector.shape_cast %swap3A_77 : vector<1x128x128xf32> to vector<128x128xf32>
    %swap3A_79 = vector.shape_cast %slice3A_73 : vector<128x128xf32> to vector<1x128x128xf32>
    tpu.vector_store %arg4[%swap3A_74, %swap3A_75, %swap3A_76], %swap3A_79 {strides = array<i32>} : memref<8x128x128xf32, #tpu.memory_space<vmem>>, vector<1x128x128xf32>,
    %slice3A_80 = vector.extract_strided_slice %select_n3A_59 {offsets = [0, 384], sizes = [128, 128], strides = [1, 1]} : vector<128x1024xf32> to vector<128x128xf32>
    %swap3A_81 = arith.constant 3 : index
    %swap3A_82 = arith.constant 0 : index
    %swap3A_83 = arith.constant 0 : index
    %swap3A_84 = vector.load %arg4[%swap3A_81, %swap3A_82, %swap3A_83] : memref<8x128x128xf32, #tpu.memory_space<vmem>>, vector<1x128x128xf32>
    %swap3A_85 = vector.shape_cast %swap3A_84 : vector<1x128x128xf32> to vector<128x128xf32>
    %swap3A_86 = vector.shape_cast %slice3A_80 : vector<128x128xf32> to vector<1x128x128xf32>
    tpu.vector_store %arg4[%swap3A_81, %swap3A_82, %swap3A_83], %swap3A_86 {strides = array<i32>} : memref<8x128x128xf32, #tpu.memory_space<vmem>>, vector<1x128x128xf32>,
    %slice3A_87 = vector.extract_strided_slice %select_n3A_59 {offsets = [0, 512], sizes = [128, 128], strides = [1, 1]} : vector<128x1024xf32> to vector<128x128xf32>
    %swap3A_88 = arith.constant 4 : index
    %swap3A_89 = arith.constant 0 : index
    %swap3A_90 = arith.constant 0 : index
    %swap3A_91 = vector.load %arg4[%swap3A_88, %swap3A_89, %swap3A_90] : memref<8x128x128xf32, #tpu.memory_space<vmem>>, vector<1x128x128xf32>
    %swap3A_92 = vector.shape_cast %swap3A_91 : vector<1x128x128xf32> to vector<128x128xf32>
    %swap3A_93 = vector.shape_cast %slice3A_87 : vector<128x128xf32> to vector<1x128x128xf32>
    tpu.vector_store %arg4[%swap3A_88, %swap3A_89, %swap3A_90], %swap3A_93 {strides = array<i32>} : memref<8x128x128xf32, #tpu.memory_space<vmem>>, vector<1x128x128xf32>,
    %slice3A_94 = vector.extract_strided_slice %select_n3A_59 {offsets = [0, 640], sizes = [128, 128], strides = [1, 1]} : vector<128x1024xf32> to vector<128x128xf32>
    %swap3A_95 = arith.constant 5 : index
    %swap3A_96 = arith.constant 0 : index
    %swap3A_97 = arith.constant 0 : index
    %swap3A_98 = vector.load %arg4[%swap3A_95, %swap3A_96, %swap3A_97] : memref<8x128x128xf32, #tpu.memory_space<vmem>>, vector<1x128x128xf32>
    %swap3A_99 = vector.shape_cast %swap3A_98 : vector<1x128x128xf32> to vector<128x128xf32>
    %swap3A_100 = vector.shape_cast %slice3A_94 : vector<128x128xf32> to vector<1x128x128xf32>
    tpu.vector_store %arg4[%swap3A_95, %swap3A_96, %swap3A_97], %swap3A_100 {strides = array<i32>} : memref<8x128x128xf32, #tpu.memory_space<vmem>>, vector<1x128x128xf32>,
    %slice3A_101 = vector.extract_strided_slice %select_n3A_59 {offsets = [0, 768], sizes = [128, 128], strides = [1, 1]} : vector<128x1024xf32> to vector<128x128xf32>
    %swap3A_102 = arith.constant 6 : index
    %swap3A_103 = arith.constant 0 : index
    %swap3A_104 = arith.constant 0 : index
    %swap3A_105 = vector.load %arg4[%swap3A_102, %swap3A_103, %swap3A_104] : memref<8x128x128xf32, #tpu.memory_space<vmem>>, vector<1x128x128xf32>
    %swap3A_106 = vector.shape_cast %swap3A_105 : vector<1x128x128xf32> to vector<128x128xf32>
    %swap3A_107 = vector.shape_cast %slice3A_101 : vector<128x128xf32> to vector<1x128x128xf32>
    tpu.vector_store %arg4[%swap3A_102, %swap3A_103, %swap3A_104], %swap3A_107 {strides = array<i32>} : memref<8x128x128xf32, #tpu.memory_space<vmem>>, vector<1x128x128xf32>,
    %slice3A_108 = vector.extract_strided_slice %select_n3A_59 {offsets = [0, 896], sizes = [128, 128], strides = [1, 1]} : vector<128x1024xf32> to vector<128x128xf32>
    %swap3A_109 = arith.constant 7 : index
    %swap3A_110 = arith.constant 0 : index
    %swap3A_111 = arith.constant 0 : index
    %swap3A_112 = vector.load %arg4[%swap3A_109, %swap3A_110, %swap3A_111] : memref<8x128x128xf32, #tpu.memory_space<vmem>>, vector<1x128x128xf32>
    %swap3A_113 = vector.shape_cast %swap3A_112 : vector<1x128x128xf32> to vector<128x128xf32>
    %swap3A_114 = vector.shape_cast %slice3A_108 : vector<128x128xf32> to vector<1x128x128xf32>
    tpu.vector_store %arg4[%swap3A_109, %swap3A_110, %swap3A_111], %swap3A_114 {strides = array<i32>} : memref<8x128x128xf32, #tpu.memory_space<vmem>>, vector<1x128x128xf32>,
    %broadcast_in_dim3A = arith.constant 0.000000e+00 : f32
    %broadcast_in_dim3A_115 = vector.broadcast %broadcast_in_dim3A : f32 to vector<2048x8x128xf32>
    %swap3A_116 = arith.constant 0 : index
    %swap3A_117 = arith.constant 0 : index
    %swap3A_118 = arith.constant 0 : index
    %swap3A_119 = vector.load %arg5[%swap3A_116, %swap3A_117, %swap3A_118] : memref<2048x8x128xf32, #tpu.memory_space<vmem>>, vector<2048x8x128xf32>
    tpu.vector_store %arg5[%swap3A_116, %swap3A_117, %swap3A_118], %broadcast_in_dim3A_115 {strides = array<i32>} : memref<2048x8x128xf32, #tpu.memory_space<vmem>>, vector<2048x8x128xf32>,
    return
  }
  func.func @transform_0(%arg0: i32) -> (i32, i32) {
    %c0_i32 = arith.constant 0 : i32
    %c0_i32_0 = arith.constant 0 : i32
    return %arg0, %c0_i32 : i32, i32
  }
  func.func @transform_1(%arg0: i32) -> (i32, i32) {
    %c0_i32 = arith.constant 0 : i32
    %c0_i32_0 = arith.constant 0 : i32
    %c0_i32_1 = arith.constant 0 : i32
    return %c0_i32, %c0_i32_0 : i32, i32
  }
  func.func @transform_2(%arg0: i32) -> (i32, i32) {
    %c0_i32 = arith.constant 0 : i32
    %c0_i32_0 = arith.constant 0 : i32
    %c0_i32_1 = arith.constant 0 : i32
    return %c0_i32, %c0_i32_0 : i32, i32
  }
  func.func @transform_3(%arg0: i32) -> (i32, i32, i32) {
    %c0_i32 = arith.constant 0 : i32
    %c0_i32_0 = arith.constant 0 : i32
    %c0_i32_1 = arith.constant 0 : i32
    return %c0_i32, %arg0, %c0_i32_0 : i32, i32, i32
  }
  func.func @transform_4(%arg0: i32) -> (i32, i32, i32) {
    %c0_i32 = arith.constant 0 : i32
    %c0_i32_0 = arith.constant 0 : i32
    %c0_i32_1 = arith.constant 0 : i32
    return %arg0, %c0_i32, %c0_i32_0 : i32, i32, i32
  }
}

</mosaic_0001>

<sc_bundles>
// kernel: kernel.4.cloned.1.call-start
scs
__scs_entry_jumppad:
0x0: {  	(pc) =	sbr.rel $0x88, $3  }
0x1: {  	(tag) =	ssettag $0x0;
	lr =	simm.s32 $0x1  }
0x2: {  	[smem:$0x3F9E] =	sst lr;
	_ =	strace $0xD0000000  }
0x3: {  	_ = 	snop  }
0x4: {  	_ = 	snop  }
0x5: {  	_ = 	snop  }
0x6: {  	_ = 	snop  }
0x7: {  	_ = 	snop  }
__scs_overlays_trampoline_lowered:
0x8: {  	[smem:$0x3FAD] =	sst s0  }
0x9: {  	[smem:$0x3FAE] =	sst s1  }
0xa: {  	[smem:$0x3FAF] =	sst s2  }
0xb: {  	[smem:$0x3FB0] =	sst s3  }
0xc: {  	[smem:$0x3FB1] =	sst s4  }
0xd: {  	[smem:$0x3FB2] =	sst s5  }
0xe: {  	[smem:$0x3FB3] =	sst s6  }
0xf: {  	[smem:$0x3FB4] =	sst s7  }
0x10: {  	[smem:$0x3FB5] =	sst s8  }
0x11: {  	[smem:$0x3FB6] =	sst s9;
	s0 =	simm.s32 @!p0 $0x0  }
0x12: {  	s1 =	sld [smem:$0x3F9C];
	s0 =	simm.s32 @p0 $0x1  }
0x13: {  	[smem:$0x3FB7] =	sst s0;
	s0 =	simm.s32 @!p1 $0x0  }
0x14: {  	s2 =	sld [smem:$0x3F9B];
	s0 =	simm.s32 @p1 $0x1  }
0x15: {  	[smem:$0x3FB8] =	sst s0;
	s0 =	simm.s32 @!p2 $0x0  }
0x16: {  	s3 =	sld [smem:$0x3FDB];
	s0 =	simm.s32 @p2 $0x1  }
0x17: {  	s4 =	simm.s32 $0x1BF5;
	[smem:$0x3FBA] =	sst s0  }
0x18: {  	s0 =	sld [smem:$0x3F9D];
	_ =	swait.ge [sflag:s4], $0x0  }
0x19: {  	s7 =	sld [smem:$0x3F9E]  }
0x1a: {  	s8 =	sadd.s32 $0xFFFFE003, lr  }
0x1b: {  	s9 =	sadd.s32 $0xFFFFFEF7, lr;
	s5 =	simm.s32 $0xFFFFFFFF;
	p2 =	slt.u32 s8, $0xFFFFF086  }
0x1c: {  	p1 =	slt.u32 s9, $0xF7A;
	s5 =	simm.s32 @!p2 $0x0  }
0x1d: {  	s5 =	simm.s32 @p1 $0x1;
	p0 =	seq.s32 s7, s2  }
0x1e: {  	s7 =	smul.u32 @!p0 $0xF7A, s2;
	p2 =	seq.s32 @!p0 s5, $0x0  }
0x1f: {  	s9 =	smul.u32 $0xF7A, s1;
	s8 =	simm.s32 @!p0 $0x1BF5;
	p2 =	por !p2, p0  }
0x20: {  	[sflag:s8] =	ssyncset.s32 @!p0 $0xFFFFF086;
	s6 =	sadd.s32 @!p0 s3, s7;
	s7 =	simm.s32 @!p0 $0x108  }
0x21: {  	s3 =	sadd.s32 s3, s9;
	s6 =	sadd.s32 @!p0 $0x88, s6;
	s7 =	simm.s32 @p2 $0x1082  }
0x22: {  	[simem:s7], [sflag:s8] =	dma.local @!p0 [hbm:s6], $0xF7A  }
0x23: {  	s9 =	sor.u32 $0xD0000000, s2;
	s6 =	simm.s32 $0x108;
	_ =	swait.ge @!p0 [sflag:s8], $0x0  }
0x24: {  	s3 =	sadd.s32 $0x88, s3;
	s6 =	simm.s32 @!p1 $0x1082;
	[sflag:s4] =	ssyncset.s32 $0xFFFFF086  }
0x25: {  	[simem:s6], [sflag:s4] =	dma.local [hbm:s3], $0xF7A  }
0x26: {  	[smem:$0x3F9E] =	sst s1;
	(tag) =	ssettag s2;
	_ =	strace s9  }
0x27: {  	s1 =	sld [smem:$0x3FAE]  }
0x28: {  	s2 =	sld [smem:$0x3FAF]  }
0x29: {  	s4 =	sld [smem:$0x3FB1]  }
0x2a: {  	p0 =	seq.s32 s5, $0x0;
	s5 =	sld [smem:$0x3FB2]  }
0x2b: {  	s6 =	sld [smem:$0x3FB3]  }
0x2c: {  	s7 =	sld [smem:$0x3FB4]  }
0x2d: {  	s3 =	simm.s32 $0x108;
	s8 =	sld [smem:$0x3FB5]  }
0x2e: {  	s3 =	simm.s32 @!p0 $0x1082;
	s9 =	sld [smem:$0x3FB6]  }
0x2f: {  	lr =	sadd.s32 s0, s3;
	s0 =	sld [smem:$0x3FAD]  }
0x30: {  	s3 =	sld [smem:$0x3FB0]  }
0x31: {  	[smem:$0x3FB9] =	sst s10  }
0x32: {  	s10 =	sld [smem:$0x3FB7];
	_ =	sdelay $0x3  }
0x33: {  	p0 =	seq.s32 s10, $0x1;
	s10 =	sld [smem:$0x3FB9];
	_ =	sdelay $0x3  }
0x34: {  	[smem:$0x3FB9] =	sst s10  }
0x35: {  	s10 =	sld [smem:$0x3FB8];
	_ =	sdelay $0x3  }
0x36: {  	p1 =	seq.s32 s10, $0x1;
	s10 =	sld [smem:$0x3FB9];
	_ =	sdelay $0x3  }
0x37: {  	[smem:$0x3FB9] =	sst s10  }
0x38: {  	s10 =	sld [smem:$0x3FBA]  }
0x39: {  	_ = 	snop;
	(pc) =	sbr.ind lr, $3  }
0x3a: {  	_ = 	snop  }
0x3b: {  	_ = 	snop  }
0x3c: {  	p2 =	seq.s32 s10, $0x1;
	s10 =	sld [smem:$0x3FB9]  }
0x3d: {  	_ =	shalt  }
0x3e: {  	_ =	shalt  }
0x3f: {  	_ =	shalt  }
0x40: {  	_ =	shalt  }
0x41: {  	_ =	shalt  }
0x42: {  	_ =	shalt  }
0x43: {  	_ =	shalt  }
0x44: {  	_ =	shalt  }
0x45: {  	_ =	shalt  }
0x46: {  	_ =	shalt  }
0x47: {  	_ =	shalt  }
0x48: {  	_ =	shalt  }
0x49: {  	_ =	shalt  }
0x4a: {  	_ =	shalt  }
0x4b: {  	_ =	shalt  }
0x4c: {  	_ =	shalt  }
0x4d: {  	_ =	shalt  }
0x4e: {  	_ =	shalt  }
0x4f: {  	_ =	shalt  }
0x50: {  	_ =	shalt  }
0x51: {  	_ =	shalt  }
0x52: {  	_ =	shalt  }
0x53: {  	_ =	shalt  }
0x54: {  	_ =	shalt  }
0x55: {  	_ =	shalt  }
0x56: {  	_ =	shalt  }
0x57: {  	_ =	shalt  }
0x58: {  	_ =	shalt  }
0x59: {  	_ =	shalt  }
0x5a: {  	_ =	shalt  }
0x5b: {  	_ =	shalt  }
0x5c: {  	_ =	shalt  }
0x5d: {  	_ =	shalt  }
0x5e: {  	_ =	shalt  }
0x5f: {  	_ =	shalt  }
0x60: {  	_ =	shalt  }
0x61: {  	_ =	shalt  }
0x62: {  	_ =	shalt  }
0x63: {  	_ =	shalt  }
0x64: {  	_ =	shalt  }
0x65: {  	_ =	shalt  }
0x66: {  	_ =	shalt  }
0x67: {  	_ =	shalt  }
0x68: {  	_ =	shalt  }
0x69: {  	_ =	shalt  }
0x6a: {  	_ =	shalt  }
0x6b: {  	_ =	shalt  }
0x6c: {  	_ =	shalt  }
0x6d: {  	_ =	shalt  }
0x6e: {  	_ =	shalt  }
0x6f: {  	_ =	shalt  }
0x70: {  	_ =	shalt  }
0x71: {  	_ =	shalt  }
0x72: {  	_ =	shalt  }
0x73: {  	_ =	shalt  }
0x74: {  	_ =	shalt  }
0x75: {  	_ =	shalt  }
0x76: {  	_ =	shalt  }
0x77: {  	_ =	shalt  }
0x78: {  	_ =	shalt  }
0x79: {  	_ =	shalt  }
0x7a: {  	_ =	shalt  }
0x7b: {  	_ =	shalt  }
0x7c: {  	_ =	shalt  }
0x7d: {  	_ =	shalt  }
0x7e: {  	_ =	shalt  }
0x7f: {  	_ =	shalt  }
0x80: {  	_ =	shalt  }
0x81: {  	_ =	shalt  }
0x82: {  	_ =	shalt  }
0x83: {  	_ =	shalt  }
0x84: {  	_ =	shalt  }
0x85: {  	_ =	shalt  }
0x86: {  	_ =	shalt  }
0x87: {  	_ =	shalt  }
.Lfunc_end0:
.L_simem_size_0:
called_computation_lowered:
.L_overlay_start_0:
0x88: {  	s2 =	sld [smem:$0x3FD9]  }
0x89: {  	s3 =	sld [smem:$0x3FFE];
	_ =	sdelay $0x1  }
0x8a: {  	s1 =	srdreg.scid  }
0x8b: {  	s0 =	sand.u32 $0x1, s1  }
0x8c: {  	s17 =	sshll.u32 s0, $0xA;
	s2 =	sadd.s32 s3, s2  }
0x8d: {  	s2 =	sadd.s32 s2, s17  }
0x8e: {  	[smem:$0x3FC5] =	sst s2  }
0x8f: {  	_ = 	snop  }
0x90: {  	s2 =	sld [smem:$0x3FD0];
	(tm) =	ssettm $0x1  }
0x91: {  	s18 =	sld [smem:$0x3FFB];
	_ =	sdelay $0x3  }
0x92: {  	_ =	strace s18  }
0x93: {  	s3 =	sld [smem:$0x3FFC];
	_ =	sdelay $0x3  }
0x94: {  	_ =	strace s3  }
0x95: {  	s3 =	sld [smem:$0x3FFD];
	_ =	sdelay $0x3  }
0x96: {  	_ =	strace s3  }
0x97: {  	_ =	strace $0x8FFFFFFF  }
0x98: {  	s19 =	sld [smem:$0x3FDB];
	_ =	sdelay $0x1  }
0x99: {  	s4 =	simm.s32 $_scs_section_size  }
0x9a: {  	s5 =	simm.s32 $_size__tile_overlayer_lowered;
	s6 =	simm.s32 $_tile_overlayer_lowered  }
0x9b: {  	s22 =	simm.s32 $0x1BFF;
	s21 =	sshll.u32 s6, $0x1;
	s3 =	sadd.s32 s4, s19  }
0x9c: {  	s7 =	simm.s32 $0x0;
	s20 =	sshll.u32 s5, $0x1;
	s5 =	sadd.s32 s21, s3  }
0x9d: {  	[timem:s7], [sflag:s22] =	dma.local [hbm:s5], s20  }
0x9e: {  	_ =	swait.ge [sflag:s22], s20  }
0x9f: {  	s4 =	ssub.s32 $0x0, s20;
	[sflag:s22] =	ssyncset.done $0x0  }
0xa0: {  	[sflag:s22] =	ssyncadd.s32 s4;
	_ =	sdelay $0x1  }
0xa1: {  	s23 =	simm.s32 $0x1B8B  }
0xa2: {  	_ =	swait.ge [sflag:s23], $0x1  }
0xa3: {  	[sflag:s23] =	ssyncset.done $0x0  }
0xa4: {  	s25 =	simm.s32 $0x1B8E;
	s24 =	sld [smem:$0x3FFE];
	[sflag:s23] =	ssyncadd.s32 $0xFFFFFFFF  }
0xa5: {  	s26 =	simm.s32 $execute0_lowered;
	[smem:$0x3FD2] =	sst s25  }
0xa6: {  	s5 =	sshll.u32 s26, $0x1;
	_ =	strace $0x80000046;
	[dreg:$0x1] =	wrdreg $0xFFFFFFFF  }
0xa7: {  	s28 =	simm.s32 $_size_execute0_lowered;
	s3 =	sadd.s32 s3, s5;
	[dreg:$0x0] =	wrdreg $0x0  }
0xa8: {  	s5 =	sshll.u32 s28, $0x1;
	[dreg:$0x2] =	wrdreg s3  }
0xa9: {  	[dreg:$0x3] =	wrdreg s5  }
0xaa: {  	[dreg:$0x4] =	wrdreg $0xC0  }
0xab: {  	_ =	task [dreg:s7], $0x5FFFF  }
0xac: {  	[dreg:$0x1] =	wrdreg $0xFFFFFFFF  }
0xad: {  	[dreg:$0x0] =	wrdreg $0x60  }
0xae: {  	[dreg:$0x2] =	wrdreg s24  }
0xaf: {  	[dreg:$0x3] =	wrdreg s2  }
0xb0: {  	[dreg:$0x4] =	wrdreg $0x9  }
0xb1: {  	_ =	task.clear_ibuf [dreg:s7], $0x5FFFF;
	_ =	strace $0x90000046  }
0xb2: {  	s29 =	simm.s32 $0x9;
	_ =	strace $0x80000048  }
0xb3: {  	_ =	swait.ge [sflag:s29], $0x1  }
0xb4: {  	[sflag:s29] =	ssyncadd.s32 $0xFFFFFFFF  }
0xb5: {  	_ =	strace $0x90000048  }
0xb6: {  	_ =	sfence  }
0xb7: {  	s30 =	sld [smem:$0x0];
	_ =	sdelay $0x2  }
0xb8: {  	s31 =	sshll.u32 s1, $0xD;
	s1 =	sshrl.u32 s1, $0x2  }
0xb9: {  	s3 =	sand.u32 $0x4000, s31;
	s1 =	sadd.s32 s1, s30  }
0xba: {  	s0 =	sor.u32 s3, s0;
	s1 =	sshll.u32 s1, $0x11  }
0xbb: {  	s0 =	sor.u32 s1, s0  }
0xbc: {  	s0 =	sadd.s32 $0x8F2B, s0  }
0xbd: {  	[sflag:s0] =	ssyncadd.remote.s32 $0x1  }
0xbe: {  	_ =	sfence.sel $0xFFFF  }
0xbf: {  	[dreg:$0x0] =	wrdreg $0xFFFFFFFF;
	(pc) =	sbr.abs _section_cstart, $3  }
0xc0: {  	[dreg:$0x1] =	wrdreg $0xFFFFFFFF  }
0xc1: {  	_ =	task.clear_ibuf [dreg:s7], $0x2FFFF;
	_ =	strace $0x9FFFFFFF  }
0xc2: {  	(tm) =	ssettm $0x7FFFFFFF  }
0xc3: {  	_ =	shalt  }
tec
execute0_lowered:
.L_overlay_start_1:
0x0: {  	(tag) =	ssettag $0x1  }
0x1: {  	s0 =	rddreg [dreg:$0x0]  }
0x2: {  	s1 =	rddreg [dreg:$0x1];
	s3 =	srdreg.scid;
	s2 =	simm.s32 $0x0  }
0x3: {  	s17 =	stileid.u32;
	s6 =	sand.u32 $0x1, s3;
	[smem:$0x7FF] =	sst s2  }
0x4: {  	s22 =	sshll.u32 s17, $0x7;
	s25 =	smul.u32 $0x40080, s17;
	s15 =	sshll.u32 s17, $0xB  }
0x5: {  	s17 =	smul.u32 $0x200400, s17;
	s4 =	sshll.u32 s6, $0x6;
	_ =	strace $0x80000047  }
0x6: {  	s23 =	ssub.s32 $0x2, s6;
	s16 =	sshll.u32 s6, $0xA;
	s26 =	smul.u32 $0x100040, s6  }
0x7: {  	s6 =	sshll.u32 s6, $0x11;
	s3 =	sor.u32 s4, s22;
	s7 =	sshrl.u32 s23, $0x1  }
0x8: {  	s15 =	sor.u32 s16, s15;
	s22 =	simm.s32 $0x2;
	s5 =	sshll.u32 s3, $0x4  }
0x9: {  	s14 =	sshrl.u32 s3, $0x6;
	s7 =	ssub.s32 s23, s7;
	s29 =	sadd.s32 s26, s17  }
0xa: {  	s0 =	sadd.s32 s5, s0;
	s24 =	sand.u32 $0x1, s14;
	s7 =	smax.u32 s7, $0x1  }
0xb: {  	s14 =	sadd.s32 $0x1, s14;
	s30 =	sshrl.u32 s29, $0x3;
	s3 =	sadd.s32 $0x809, s0  }
0xc: {  	s4 =	sadd.s32 $0x800, s0;
	s5 =	sadd.s32 $0xA00, s0;
	[dreg:$0x3] =	wrdreg s7  }
0xd: {  	s7 =	sadd.s32 $0x8809, s0;
	s8 =	sadd.s32 $0x10809, s0;
	s9 =	sadd.s32 $0x18809, s0  }
0xe: {  	s10 =	sadd.s32 $0x20809, s0;
	s11 =	sadd.s32 $0x28809, s0;
	s12 =	sadd.s32 $0x30809, s0  }
0xf: {  	s13 =	sadd.s32 $0x38809, s0;
	s14 =	sshrl.u32 s14, $0x1;
	s0 =	sadd.s32 s25, s1  }
0x10: {  	s14 =	sand.u32 $0xF, s14;
	s18 =	sadd.s32 s6, s0;
	s0 =	sadd.s32 s30, s1  }
0x11: {  	p0 =	seq.s32 s24, $0x1;
	s14 =	sor.u32 s14, s15;
	[dreg:$0x5] =	wrdreg s0  }
0x12: {  	s6 =	sadd.s32 $0x80000, s29;
	[dreg:$0x4] =	wrdreg s18;
	s28 =	sshll.u32 s14, $0x7  }
0x13: {  	s17 =	sadd.s32 $0x10000, s18;
	s31 =	sshrl.u32 s6, $0x3;
	s15 =	sadd.s32 s28, s1  }
0x14: {  	s19 =	sadd.s32 s31, s1;
	s1 =	simm.s32 $0x0;
	s18 =	sadd.s32 $0x10000, s15  }
.LBB2_1:
0x15: {  	[dreg:$0x6] =	wrdreg s1;
	s0 =	simm.s32 $0x48  }
0x16: {  	s1 =	simm.s32 $0x10;
	s14 =	sadd.s32 $0x0, s3;
	s6 =	simm.s32 $0x148  }
.LBB2_2:
0x17: {  	[tilespmem:s0], [sflag:$0x1] =	stream.linear.gather [hbm4b:s14+s2], $0x38, $0x38;
	[tilespmem:$0x10000] =	vst v63  }
0x18: {  	s14 =	smov.u32 s1;
	s0 =	smov.u32 s6;
	p1 =	sne.s32 s1, $0x1F0  }
.Ltmp0:
0x19: {  	s1 =	sadd.s32 $0x10, s1;
	(pc) =	sbr.rel @p1 .LBB2_2-.Ltmp0, $2  }
0x1a: {  	_ =	sdelay $0x2  }
0x1b: {  	s6 =	sadd.s32 $0x100, s6;
	s14 =	sadd.s32 s14, s3  }
0x1c: {  	[tilespmem:s0], [sflag:$0x1] =	stream.linear.gather [hbm4b:s14+s2], $0x38, $0x38;
	[tilespmem:$0x10000] =	vst v63  }
0x1d: {  	s0 =	simm.s32 $0x2048  }
0x1e: {  	s1 =	simm.s32 $0x10;
	s14 =	sadd.s32 $0x0, s7;
	s6 =	simm.s32 $0x2148  }
.LBB2_4:
0x1f: {  	[tilespmem:s0], [sflag:$0x1] =	stream.linear.gather [hbm4b:s14+s2], $0x38, $0x38;
	[tilespmem:$0x10000] =	vst v63  }
0x20: {  	s14 =	smov.u32 s1;
	s0 =	smov.u32 s6;
	p1 =	sne.s32 s1, $0x1F0  }
.Ltmp1:
0x21: {  	s1 =	sadd.s32 $0x10, s1;
	(pc) =	sbr.rel @p1 .LBB2_4-.Ltmp1, $2  }
0x22: {  	_ =	sdelay $0x2  }
0x23: {  	s6 =	sadd.s32 $0x100, s6;
	s14 =	sadd.s32 s14, s7  }
0x24: {  	[tilespmem:s0], [sflag:$0x1] =	stream.linear.gather [hbm4b:s14+s2], $0x38, $0x38;
	[tilespmem:$0x10000] =	vst v63  }
0x25: {  	s0 =	simm.s32 $0x4048  }
0x26: {  	s1 =	simm.s32 $0x10;
	s14 =	sadd.s32 $0x0, s8;
	s6 =	simm.s32 $0x4148  }
.LBB2_6:
0x27: {  	[tilespmem:s0], [sflag:$0x1] =	stream.linear.gather [hbm4b:s14+s2], $0x38, $0x38;
	[tilespmem:$0x10000] =	vst v63  }
0x28: {  	s14 =	smov.u32 s1;
	s0 =	smov.u32 s6;
	p1 =	sne.s32 s1, $0x1F0  }
.Ltmp2:
0x29: {  	s1 =	sadd.s32 $0x10, s1;
	(pc) =	sbr.rel @p1 .LBB2_6-.Ltmp2, $2  }
0x2a: {  	_ =	sdelay $0x2  }
0x2b: {  	s6 =	sadd.s32 $0x100, s6;
	s14 =	sadd.s32 s14, s8  }
0x2c: {  	[tilespmem:s0], [sflag:$0x1] =	stream.linear.gather [hbm4b:s14+s2], $0x38, $0x38;
	[tilespmem:$0x10000] =	vst v63  }
0x2d: {  	s0 =	simm.s32 $0x6048  }
0x2e: {  	s1 =	simm.s32 $0x10;
	s14 =	sadd.s32 $0x0, s9;
	s6 =	simm.s32 $0x6148  }
.LBB2_8:
0x2f: {  	[tilespmem:s0], [sflag:$0x1] =	stream.linear.gather [hbm4b:s14+s2], $0x38, $0x38;
	[tilespmem:$0x10000] =	vst v63  }
0x30: {  	s14 =	smov.u32 s1;
	s0 =	smov.u32 s6;
	p1 =	sne.s32 s1, $0x1F0  }
.Ltmp3:
0x31: {  	s1 =	sadd.s32 $0x10, s1;
	(pc) =	sbr.rel @p1 .LBB2_8-.Ltmp3, $2  }
0x32: {  	_ =	sdelay $0x2  }
0x33: {  	s6 =	sadd.s32 $0x100, s6;
	s14 =	sadd.s32 s14, s9  }
0x34: {  	[tilespmem:s0], [sflag:$0x1] =	stream.linear.gather [hbm4b:s14+s2], $0x38, $0x38;
	[tilespmem:$0x10000] =	vst v63  }
0x35: {  	s0 =	simm.s32 $0x8048  }
0x36: {  	s1 =	simm.s32 $0x10;
	s14 =	sadd.s32 $0x0, s10;
	s6 =	simm.s32 $0x8148  }
.LBB2_10:
0x37: {  	[tilespmem:s0], [sflag:$0x1] =	stream.linear.gather [hbm4b:s14+s2], $0x38, $0x38;
	[tilespmem:$0x10000] =	vst v63  }
0x38: {  	s14 =	smov.u32 s1;
	s0 =	smov.u32 s6;
	p1 =	sne.s32 s1, $0x1F0  }
.Ltmp4:
0x39: {  	s1 =	sadd.s32 $0x10, s1;
	(pc) =	sbr.rel @p1 .LBB2_10-.Ltmp4, $2  }
0x3a: {  	_ =	sdelay $0x2  }
0x3b: {  	s6 =	sadd.s32 $0x100, s6;
	s14 =	sadd.s32 s14, s10  }
0x3c: {  	[tilespmem:s0], [sflag:$0x1] =	stream.linear.gather [hbm4b:s14+s2], $0x38, $0x38;
	[tilespmem:$0x10000] =	vst v63  }
0x3d: {  	s0 =	simm.s32 $0xA048  }
0x3e: {  	s1 =	simm.s32 $0x10;
	s14 =	sadd.s32 $0x0, s11;
	s6 =	simm.s32 $0xA148  }
.LBB2_12:
0x3f: {  	[tilespmem:s0], [sflag:$0x1] =	stream.linear.gather [hbm4b:s14+s2], $0x38, $0x38;
	[tilespmem:$0x10000] =	vst v63  }
0x40: {  	s14 =	smov.u32 s1;
	s0 =	smov.u32 s6;
	p1 =	sne.s32 s1, $0x1F0  }
.Ltmp5:
0x41: {  	s1 =	sadd.s32 $0x10, s1;
	(pc) =	sbr.rel @p1 .LBB2_12-.Ltmp5, $2  }
0x42: {  	_ =	sdelay $0x2  }
0x43: {  	s6 =	sadd.s32 $0x100, s6;
	s14 =	sadd.s32 s14, s11  }
0x44: {  	[tilespmem:s0], [sflag:$0x1] =	stream.linear.gather [hbm4b:s14+s2], $0x38, $0x38;
	[tilespmem:$0x10000] =	vst v63  }
0x45: {  	s0 =	simm.s32 $0xC048  }
0x46: {  	s1 =	simm.s32 $0x10;
	s14 =	sadd.s32 $0x0, s12;
	s6 =	simm.s32 $0xC148  }
.LBB2_14:
0x47: {  	[tilespmem:s0], [sflag:$0x1] =	stream.linear.gather [hbm4b:s14+s2], $0x38, $0x38;
	[tilespmem:$0x10000] =	vst v63  }
0x48: {  	s14 =	smov.u32 s1;
	s0 =	smov.u32 s6;
	p1 =	sne.s32 s1, $0x1F0  }
.Ltmp6:
0x49: {  	s1 =	sadd.s32 $0x10, s1;
	(pc) =	sbr.rel @p1 .LBB2_14-.Ltmp6, $2  }
0x4a: {  	_ =	sdelay $0x2  }
0x4b: {  	s6 =	sadd.s32 $0x100, s6;
	s14 =	sadd.s32 s14, s12  }
0x4c: {  	[tilespmem:s0], [sflag:$0x1] =	stream.linear.gather [hbm4b:s14+s2], $0x38, $0x38;
	[tilespmem:$0x10000] =	vst v63  }
0x4d: {  	s0 =	simm.s32 $0xE048  }
0x4e: {  	s1 =	simm.s32 $0x10;
	s14 =	sadd.s32 $0x0, s13;
	s6 =	simm.s32 $0xE148  }
.LBB2_16:
0x4f: {  	[tilespmem:s0], [sflag:$0x1] =	stream.linear.gather [hbm4b:s14+s2], $0x38, $0x38;
	[tilespmem:$0x10000] =	vst v63  }
0x50: {  	s14 =	smov.u32 s1;
	s0 =	smov.u32 s6;
	p1 =	sne.s32 s1, $0x1F0  }
.Ltmp7:
0x51: {  	s1 =	sadd.s32 $0x10, s1;
	(pc) =	sbr.rel @p1 .LBB2_16-.Ltmp7, $2  }
0x52: {  	_ =	sdelay $0x2  }
0x53: {  	s6 =	sadd.s32 $0x100, s6;
	s14 =	sadd.s32 s14, s13  }
0x54: {  	[tilespmem:s0], [sflag:$0x1] =	stream.linear.gather [hbm4b:s14+s2], $0x38, $0x38;
	[tilespmem:$0x10000] =	vst v63  }
0x55: {  	s31 =	simm.s32 $0x1  }
0x56: {  	_ =	swait.ge [sflag:s31], $0x3800  }
0x57: {  	s0 =	simm.s32 $0x80;
	s1 =	simm.s32 $0x10;
	[sflag:s31] =	ssyncset.done $0x0  }
0x58: {  	s14 =	sadd.s32 $0x0, s4;
	s6 =	simm.s32 $0x180;
	[sflag:s31] =	ssyncadd.s32 $0xFFFFC800  }
.LBB2_18:
0x59: {  	[tilespmem:s0], [sflag:$0x3] =	stream.linear.gather [hbm4b:s14+s2], $0x80, $0x38;
	[tilespmem:$0x10000] =	vst v63  }
0x5a: {  	s14 =	smov.u32 s1;
	s0 =	smov.u32 s6;
	p1 =	sne.s32 s1, $0x1F0  }
.Ltmp8:
0x5b: {  	s1 =	sadd.s32 $0x10, s1;
	(pc) =	sbr.rel @p1 .LBB2_18-.Ltmp8, $2  }
0x5c: {  	_ =	sdelay $0x2  }
0x5d: {  	s6 =	sadd.s32 $0x100, s6;
	s14 =	sadd.s32 s14, s4  }
0x5e: {  	[tilespmem:s0], [sflag:$0x3] =	stream.linear.gather [hbm4b:s14+s2], $0x80, $0x38;
	[tilespmem:$0x10000] =	vst v63  }
0x5f: {  	s0 =	sadd.s32 $0x8000, s4;
	s1 =	simm.s32 $0x2080  }
0x60: {  	s6 =	simm.s32 $0x10;
	s14 =	simm.s32 $0x2180;
	s20 =	sadd.s32 $0x0, s0  }
.LBB2_20:
0x61: {  	[tilespmem:s1], [sflag:$0x3] =	stream.linear.gather [hbm4b:s20+s2], $0x80, $0x38;
	[tilespmem:$0x10000] =	vst v63  }
0x62: {  	s20 =	smov.u32 s6;
	s1 =	smov.u32 s14;
	p1 =	sne.s32 s6, $0x1F0  }
.Ltmp9:
0x63: {  	s6 =	sadd.s32 $0x10, s6;
	(pc) =	sbr.rel @p1 .LBB2_20-.Ltmp9, $2  }
0x64: {  	_ =	sdelay $0x2  }
0x65: {  	s14 =	sadd.s32 $0x100, s14;
	s20 =	sadd.s32 s20, s0  }
0x66: {  	[tilespmem:s1], [sflag:$0x3] =	stream.linear.gather [hbm4b:s20+s2], $0x80, $0x38;
	[tilespmem:$0x10000] =	vst v63  }
0x67: {  	s0 =	sadd.s32 $0x10000, s4;
	s1 =	simm.s32 $0x4080  }
0x68: {  	s6 =	simm.s32 $0x10;
	s14 =	simm.s32 $0x4180;
	s20 =	sadd.s32 $0x0, s0  }
.LBB2_22:
0x69: {  	[tilespmem:s1], [sflag:$0x3] =	stream.linear.gather [hbm4b:s20+s2], $0x80, $0x38;
	[tilespmem:$0x10000] =	vst v63  }
0x6a: {  	s20 =	smov.u32 s6;
	s1 =	smov.u32 s14;
	p1 =	sne.s32 s6, $0x1F0  }
.Ltmp10:
0x6b: {  	s6 =	sadd.s32 $0x10, s6;
	(pc) =	sbr.rel @p1 .LBB2_22-.Ltmp10, $2  }
0x6c: {  	_ =	sdelay $0x2  }
0x6d: {  	s14 =	sadd.s32 $0x100, s14;
	s20 =	sadd.s32 s20, s0  }
0x6e: {  	[tilespmem:s1], [sflag:$0x3] =	stream.linear.gather [hbm4b:s20+s2], $0x80, $0x38;
	[tilespmem:$0x10000] =	vst v63  }
0x6f: {  	s0 =	sadd.s32 $0x18000, s4;
	s1 =	simm.s32 $0x6080  }
0x70: {  	s6 =	simm.s32 $0x10;
	s14 =	simm.s32 $0x6180;
	s20 =	sadd.s32 $0x0, s0  }
.LBB2_24:
0x71: {  	[tilespmem:s1], [sflag:$0x3] =	stream.linear.gather [hbm4b:s20+s2], $0x80, $0x38;
	[tilespmem:$0x10000] =	vst v63  }
0x72: {  	s20 =	smov.u32 s6;
	s1 =	smov.u32 s14;
	p1 =	sne.s32 s6, $0x1F0  }
.Ltmp11:
0x73: {  	s6 =	sadd.s32 $0x10, s6;
	(pc) =	sbr.rel @p1 .LBB2_24-.Ltmp11, $2  }
0x74: {  	_ =	sdelay $0x2  }
0x75: {  	s14 =	sadd.s32 $0x100, s14;
	s20 =	sadd.s32 s20, s0  }
0x76: {  	[tilespmem:s1], [sflag:$0x3] =	stream.linear.gather [hbm4b:s20+s2], $0x80, $0x38;
	[tilespmem:$0x10000] =	vst v63  }
0x77: {  	s0 =	sadd.s32 $0x20000, s4;
	s1 =	simm.s32 $0x8080  }
0x78: {  	s6 =	simm.s32 $0x10;
	s14 =	simm.s32 $0x8180;
	s20 =	sadd.s32 $0x0, s0  }
.LBB2_26:
0x79: {  	[tilespmem:s1], [sflag:$0x3] =	stream.linear.gather [hbm4b:s20+s2], $0x80, $0x38;
	[tilespmem:$0x10000] =	vst v63  }
0x7a: {  	s20 =	smov.u32 s6;
	s1 =	smov.u32 s14;
	p1 =	sne.s32 s6, $0x1F0  }
.Ltmp12:
0x7b: {  	s6 =	sadd.s32 $0x10, s6;
	(pc) =	sbr.rel @p1 .LBB2_26-.Ltmp12, $2  }
0x7c: {  	_ =	sdelay $0x2  }
0x7d: {  	s14 =	sadd.s32 $0x100, s14;
	s20 =	sadd.s32 s20, s0  }
0x7e: {  	[tilespmem:s1], [sflag:$0x3] =	stream.linear.gather [hbm4b:s20+s2], $0x80, $0x38;
	[tilespmem:$0x10000] =	vst v63  }
0x7f: {  	s0 =	sadd.s32 $0x28000, s4;
	s1 =	simm.s32 $0xA080  }
0x80: {  	s6 =	simm.s32 $0x10;
	s14 =	simm.s32 $0xA180;
	s20 =	sadd.s32 $0x0, s0  }
.LBB2_28:
0x81: {  	[tilespmem:s1], [sflag:$0x3] =	stream.linear.gather [hbm4b:s20+s2], $0x80, $0x38;
	[tilespmem:$0x10000] =	vst v63  }
0x82: {  	s20 =	smov.u32 s6;
	s1 =	smov.u32 s14;
	p1 =	sne.s32 s6, $0x1F0  }
.Ltmp13:
0x83: {  	s6 =	sadd.s32 $0x10, s6;
	(pc) =	sbr.rel @p1 .LBB2_28-.Ltmp13, $2  }
0x84: {  	_ =	sdelay $0x2  }
0x85: {  	s14 =	sadd.s32 $0x100, s14;
	s20 =	sadd.s32 s20, s0  }
0x86: {  	[tilespmem:s1], [sflag:$0x3] =	stream.linear.gather [hbm4b:s20+s2], $0x80, $0x38;
	[tilespmem:$0x10000] =	vst v63  }
0x87: {  	s0 =	sadd.s32 $0x30000, s4;
	s1 =	simm.s32 $0xC080  }
0x88: {  	s6 =	simm.s32 $0x10;
	s14 =	simm.s32 $0xC180;
	s20 =	sadd.s32 $0x0, s0  }
.LBB2_30:
0x89: {  	[tilespmem:s1], [sflag:$0x3] =	stream.linear.gather [hbm4b:s20+s2], $0x80, $0x38;
	[tilespmem:$0x10000] =	vst v63  }
0x8a: {  	s20 =	smov.u32 s6;
	s1 =	smov.u32 s14;
	p1 =	sne.s32 s6, $0x1F0  }
.Ltmp14:
0x8b: {  	s6 =	sadd.s32 $0x10, s6;
	(pc) =	sbr.rel @p1 .LBB2_30-.Ltmp14, $2  }
0x8c: {  	_ =	sdelay $0x2  }
0x8d: {  	s14 =	sadd.s32 $0x100, s14;
	s20 =	sadd.s32 s20, s0  }
0x8e: {  	[tilespmem:s1], [sflag:$0x3] =	stream.linear.gather [hbm4b:s20+s2], $0x80, $0x38;
	[tilespmem:$0x10000] =	vst v63  }
0x8f: {  	s0 =	sadd.s32 $0x38000, s4;
	s1 =	simm.s32 $0xE080  }
0x90: {  	s6 =	simm.s32 $0x10;
	s14 =	simm.s32 $0xE180;
	s20 =	sadd.s32 $0x0, s0  }
.LBB2_32:
0x91: {  	[tilespmem:s1], [sflag:$0x3] =	stream.linear.gather [hbm4b:s20+s2], $0x80, $0x38;
	[tilespmem:$0x10000] =	vst v63  }
0x92: {  	s20 =	smov.u32 s6;
	s1 =	smov.u32 s14;
	p1 =	sne.s32 s6, $0x1F0  }
.Ltmp15:
0x93: {  	s6 =	sadd.s32 $0x10, s6;
	(pc) =	sbr.rel @p1 .LBB2_32-.Ltmp15, $2  }
0x94: {  	_ =	sdelay $0x2  }
0x95: {  	s14 =	sadd.s32 $0x100, s14;
	s20 =	sadd.s32 s20, s0  }
0x96: {  	[tilespmem:s1], [sflag:$0x3] =	stream.linear.gather [hbm4b:s20+s2], $0x80, $0x38;
	[tilespmem:$0x10000] =	vst v63  }
0x97: {  	s0 =	simm.s32 $0x0  }
0x98: {  	s26 =	simm.s32 $0x3;
	s0 =	sand.u32 $0x7, s0  }
0x99: {  	_ =	swait.ge [sflag:s26], $0x8000;
	s0 =	sadd.s32 $0x80, s0  }
0x9a: {  	[sflag:s26] =	ssyncset.done $0x0;
	s16 =	rddreg [dreg:$0x5];
	s0 =	sand.u32 $0x3FFFFFF8, s0  }
0x9b: {  	[sflag:s26] =	ssyncadd.s32 $0xFFFF8000;
	s26 =	simm.s32 @p0 $0x0;
	s1 =	sadd.s32 @p0 $0x0, s0  }
0x9c: {  	[hbm4b:s16+s26] =	stream.linear.scatter @p0 [tilespmem:s1], [sflag:$0x2], $0x40, $0x38;
	[tilespmem:$0x10000] =	vst v63  }
0x9d: {  	s14 =	sadd.s32 @p0 $0x10, s16;
	s6 =	sadd.s32 @p0 $0x2000, s1  }
0x9e: {  	[hbm4b:s14+s26] =	stream.linear.scatter @p0 [tilespmem:s6], [sflag:$0x2], $0x40, $0x38;
	[tilespmem:$0x10000] =	vst v63  }
0x9f: {  	s6 =	sadd.s32 @p0 $0x4000, s1;
	s14 =	sadd.s32 @p0 $0x20, s16  }
0xa0: {  	[hbm4b:s14+s26] =	stream.linear.scatter @p0 [tilespmem:s6], [sflag:$0x2], $0x40, $0x38;
	[tilespmem:$0x10000] =	vst v63  }
0xa1: {  	s6 =	sadd.s32 @p0 $0x6000, s1;
	s14 =	sadd.s32 @p0 $0x30, s16  }
0xa2: {  	[hbm4b:s14+s26] =	stream.linear.scatter @p0 [tilespmem:s6], [sflag:$0x2], $0x40, $0x38;
	[tilespmem:$0x10000] =	vst v63  }
0xa3: {  	s6 =	sadd.s32 @p0 $0x8000, s1;
	s14 =	sadd.s32 @p0 $0x40, s16  }
0xa4: {  	[hbm4b:s14+s26] =	stream.linear.scatter @p0 [tilespmem:s6], [sflag:$0x2], $0x40, $0x38;
	[tilespmem:$0x10000] =	vst v63  }
0xa5: {  	s6 =	sadd.s32 @p0 $0xA000, s1;
	s14 =	sadd.s32 @p0 $0x50, s16  }
0xa6: {  	[hbm4b:s14+s26] =	stream.linear.scatter @p0 [tilespmem:s6], [sflag:$0x2], $0x40, $0x38;
	[tilespmem:$0x10000] =	vst v63  }
0xa7: {  	s6 =	sadd.s32 @p0 $0xC000, s1;
	s14 =	sadd.s32 @p0 $0x60, s16  }
0xa8: {  	[hbm4b:s14+s26] =	stream.linear.scatter @p0 [tilespmem:s6], [sflag:$0x2], $0x40, $0x38;
	[tilespmem:$0x10000] =	vst v63  }
0xa9: {  	s6 =	sadd.s32 @p0 $0xE000, s1;
	s14 =	sadd.s32 @p0 $0x70, s16  }
0xaa: {  	[hbm4b:s14+s26] =	stream.linear.scatter @p0 [tilespmem:s6], [sflag:$0x2], $0x40, $0x38;
	[tilespmem:$0x10000] =	vst v63  }
0xab: {  	s6 =	sadd.s32 @p0 $0x40, s1  }
0xac: {  	[hbm4b:s15+s26] =	stream.linear.scatter @p0 [tilespmem:s6], [sflag:$0x2], $0x40, $0x38;
	[tilespmem:$0x10000] =	vst v63  }
0xad: {  	s14 =	sadd.s32 @p0 $0x10, s15;
	s6 =	sadd.s32 @p0 $0x2040, s1  }
0xae: {  	[hbm4b:s14+s26] =	stream.linear.scatter @p0 [tilespmem:s6], [sflag:$0x2], $0x40, $0x38;
	[tilespmem:$0x10000] =	vst v63  }
0xaf: {  	s6 =	sadd.s32 @p0 $0x4040, s1;
	s14 =	sadd.s32 @p0 $0x20, s15  }
0xb0: {  	[hbm4b:s14+s26] =	stream.linear.scatter @p0 [tilespmem:s6], [sflag:$0x2], $0x40, $0x38;
	[tilespmem:$0x10000] =	vst v63  }
0xb1: {  	s6 =	sadd.s32 @p0 $0x6040, s1;
	s14 =	sadd.s32 @p0 $0x30, s15  }
0xb2: {  	[hbm4b:s14+s26] =	stream.linear.scatter @p0 [tilespmem:s6], [sflag:$0x2], $0x40, $0x38;
	[tilespmem:$0x10000] =	vst v63  }
0xb3: {  	s6 =	sadd.s32 @p0 $0x8040, s1;
	s14 =	sadd.s32 @p0 $0x40, s15  }
0xb4: {  	[hbm4b:s14+s26] =	stream.linear.scatter @p0 [tilespmem:s6], [sflag:$0x2], $0x40, $0x38;
	[tilespmem:$0x10000] =	vst v63  }
0xb5: {  	s6 =	sadd.s32 @p0 $0xA040, s1;
	s14 =	sadd.s32 @p0 $0x50, s15  }
0xb6: {  	[hbm4b:s14+s26] =	stream.linear.scatter @p0 [tilespmem:s6], [sflag:$0x2], $0x40, $0x38;
	[tilespmem:$0x10000] =	vst v63  }
0xb7: {  	s6 =	sadd.s32 @p0 $0xC040, s1;
	s14 =	sadd.s32 @p0 $0x60, s15  }
0xb8: {  	[hbm4b:s14+s26] =	stream.linear.scatter @p0 [tilespmem:s6], [sflag:$0x2], $0x40, $0x38;
	[tilespmem:$0x10000] =	vst v63  }
0xb9: {  	s1 =	sadd.s32 @p0 $0xE040, s1;
	s6 =	sadd.s32 @p0 $0x70, s15  }
0xba: {  	[hbm4b:s6+s26] =	stream.linear.scatter @p0 [tilespmem:s1], [sflag:$0x2], $0x40, $0x38;
	[tilespmem:$0x10000] =	vst v63  }
0xbb: {  	s30 =	simm.s32 @!p0 $0x0;
	s21 =	sadd.s32 @!p0 $0x0, s0;
	s6 =	rddreg [dreg:$0x4]  }
0xbc: {  	[hbm4b:s6+s30] =	stream.linear.scatter @!p0 [tilespmem:s21], [sflag:$0x2], $0x80, $0x38;
	[tilespmem:$0x10000] =	vst v63  }
0xbd: {  	s25 =	simm.s32 $0x400;
	s0 =	sadd.s32 @!p0 $0x2000, s21;
	s1 =	sadd.s32 @!p0 $0x10, s6  }
0xbe: {  	[hbm4b:s1+s30] =	stream.linear.scatter @!p0 [tilespmem:s0], [sflag:$0x2], $0x80, $0x38;
	[tilespmem:$0x10000] =	vst v63  }
0xbf: {  	s31 =	simm.s32 $0x800;
	s0 =	sadd.s32 @!p0 $0x4000, s21;
	s1 =	sadd.s32 @!p0 $0x20, s6  }
0xc0: {  	[hbm4b:s1+s30] =	stream.linear.scatter @!p0 [tilespmem:s0], [sflag:$0x2], $0x80, $0x38;
	[tilespmem:$0x10000] =	vst v63  }
0xc1: {  	s28 =	sadd.s32 $0x800, s15;
	s0 =	sadd.s32 @!p0 $0x6000, s21;
	s1 =	sadd.s32 @!p0 $0x30, s6  }
0xc2: {  	[hbm4b:s1+s30] =	stream.linear.scatter @!p0 [tilespmem:s0], [sflag:$0x2], $0x80, $0x38;
	[tilespmem:$0x10000] =	vst v63  }
0xc3: {  	s29 =	sadd.s32 $0x800, s16;
	s0 =	sadd.s32 @!p0 $0x8000, s21;
	s1 =	sadd.s32 @!p0 $0x40, s6  }
0xc4: {  	[hbm4b:s1+s30] =	stream.linear.scatter @!p0 [tilespmem:s0], [sflag:$0x2], $0x80, $0x38;
	[tilespmem:$0x10000] =	vst v63  }
0xc5: {  	s20 =	sadd.s32 @!p0 $0xC000, s21;
	s0 =	sadd.s32 @!p0 $0xA000, s21;
	s1 =	sadd.s32 @!p0 $0x50, s6  }
0xc6: {  	[hbm4b:s1+s30] =	stream.linear.scatter @!p0 [tilespmem:s0], [sflag:$0x2], $0x80, $0x38;
	[tilespmem:$0x10000] =	vst v63  }
0xc7: {  	s23 =	sadd.s32 @!p0 $0x70, s6;
	s24 =	sadd.s32 $0x800, s6;
	s1 =	simm.s32 $0x1  }
0xc8: {  	s6 =	sadd.s32 @!p0 $0x60, s6;
	s0 =	simm.s32 $0x7F;
	s14 =	sand.u32 $0x7, s1  }
.LBB2_34:
0xc9: {  	[hbm4b:s6+s30] =	stream.linear.scatter @!p0 [tilespmem:s20], [sflag:$0x2], $0x80, $0x38;
	[tilespmem:$0x10000] =	vst v63  }
0xca: {  	s20 =	smov.u32 s25;
	s25 =	smov.u32 s31;
	s6 =	smov.u32 s24  }
0xcb: {  	s31 =	sadd.s32 $0x400, s31;
	s14 =	sadd.s32 s14, s0;
	s16 =	sadd.s32 @!p0 $0xE000, s21  }
0xcc: {  	p1 =	sne.s32 s31, $0x8000;
	s21 =	sand.u32 $0x3FFFFFF8, s14;
	s14 =	sshra.s32 @p0 s20, $0x2  }
0xcd: {  	[hbm4b:s23+s30] =	stream.linear.scatter @!p0 [tilespmem:s16], [sflag:$0x2], $0x80, $0x38;
	[tilespmem:$0x10000] =	vst v63  }
0xce: {  	s23 =	sadd.s32 @p0 s14, s21  }
0xcf: {  	[hbm4b:s29+s26] =	stream.linear.scatter @p0 [tilespmem:s23], [sflag:$0x2], $0x40, $0x38;
	[tilespmem:$0x10000] =	vst v63  }
0xd0: {  	s16 =	sadd.s32 @p0 $0x10, s29;
	s14 =	sadd.s32 @p0 $0x2000, s23  }
0xd1: {  	[hbm4b:s16+s26] =	stream.linear.scatter @p0 [tilespmem:s14], [sflag:$0x2], $0x40, $0x38;
	[tilespmem:$0x10000] =	vst v63  }
0xd2: {  	s14 =	sadd.s32 @p0 $0x4000, s23;
	s16 =	sadd.s32 @p0 $0x20, s29  }
0xd3: {  	[hbm4b:s16+s26] =	stream.linear.scatter @p0 [tilespmem:s14], [sflag:$0x2], $0x40, $0x38;
	[tilespmem:$0x10000] =	vst v63  }
0xd4: {  	s14 =	sadd.s32 @p0 $0x6000, s23;
	s16 =	sadd.s32 @p0 $0x30, s29  }
0xd5: {  	[hbm4b:s16+s26] =	stream.linear.scatter @p0 [tilespmem:s14], [sflag:$0x2], $0x40, $0x38;
	[tilespmem:$0x10000] =	vst v63  }
0xd6: {  	s14 =	sadd.s32 @p0 $0x8000, s23;
	s16 =	sadd.s32 @p0 $0x40, s29  }
0xd7: {  	[hbm4b:s16+s26] =	stream.linear.scatter @p0 [tilespmem:s14], [sflag:$0x2], $0x40, $0x38;
	[tilespmem:$0x10000] =	vst v63  }
0xd8: {  	s14 =	sadd.s32 @p0 $0xA000, s23;
	s16 =	sadd.s32 @p0 $0x50, s29  }
0xd9: {  	[hbm4b:s16+s26] =	stream.linear.scatter @p0 [tilespmem:s14], [sflag:$0x2], $0x40, $0x38;
	[tilespmem:$0x10000] =	vst v63  }
0xda: {  	s14 =	sadd.s32 @p0 $0xC000, s23;
	s16 =	sadd.s32 @p0 $0x60, s29  }
0xdb: {  	[hbm4b:s16+s26] =	stream.linear.scatter @p0 [tilespmem:s14], [sflag:$0x2], $0x40, $0x38;
	[tilespmem:$0x10000] =	vst v63  }
0xdc: {  	s14 =	sadd.s32 @p0 $0xE000, s23;
	s16 =	sadd.s32 @p0 $0x70, s29  }
0xdd: {  	[hbm4b:s16+s26] =	stream.linear.scatter @p0 [tilespmem:s14], [sflag:$0x2], $0x40, $0x38;
	[tilespmem:$0x10000] =	vst v63  }
0xde: {  	s14 =	sadd.s32 @p0 $0x40, s23  }
0xdf: {  	[hbm4b:s28+s26] =	stream.linear.scatter @p0 [tilespmem:s14], [sflag:$0x2], $0x40, $0x38;
	[tilespmem:$0x10000] =	vst v63  }
0xe0: {  	s16 =	sadd.s32 @p0 $0x10, s28;
	s14 =	sadd.s32 @p0 $0x2040, s23  }
0xe1: {  	[hbm4b:s16+s26] =	stream.linear.scatter @p0 [tilespmem:s14], [sflag:$0x2], $0x40, $0x38;
	[tilespmem:$0x10000] =	vst v63  }
0xe2: {  	s14 =	sadd.s32 @p0 $0x4040, s23;
	s16 =	sadd.s32 @p0 $0x20, s28  }
0xe3: {  	[hbm4b:s16+s26] =	stream.linear.scatter @p0 [tilespmem:s14], [sflag:$0x2], $0x40, $0x38;
	[tilespmem:$0x10000] =	vst v63  }
0xe4: {  	s14 =	sadd.s32 @p0 $0x6040, s23;
	s16 =	sadd.s32 @p0 $0x30, s28  }
0xe5: {  	[hbm4b:s16+s26] =	stream.linear.scatter @p0 [tilespmem:s14], [sflag:$0x2], $0x40, $0x38;
	[tilespmem:$0x10000] =	vst v63  }
0xe6: {  	s14 =	sadd.s32 @p0 $0x8040, s23;
	s16 =	sadd.s32 @p0 $0x40, s28  }
0xe7: {  	[hbm4b:s16+s26] =	stream.linear.scatter @p0 [tilespmem:s14], [sflag:$0x2], $0x40, $0x38;
	[tilespmem:$0x10000] =	vst v63  }
0xe8: {  	s14 =	sadd.s32 @p0 $0xA040, s23;
	s16 =	sadd.s32 @p0 $0x50, s28  }
0xe9: {  	[hbm4b:s16+s26] =	stream.linear.scatter @p0 [tilespmem:s14], [sflag:$0x2], $0x40, $0x38;
	[tilespmem:$0x10000] =	vst v63  }
0xea: {  	s14 =	sadd.s32 @p0 $0xC040, s23;
	s16 =	sadd.s32 @p0 $0x60, s28  }
0xeb: {  	[hbm4b:s16+s26] =	stream.linear.scatter @p0 [tilespmem:s14], [sflag:$0x2], $0x40, $0x38;
	[tilespmem:$0x10000] =	vst v63  }
0xec: {  	s20 =	sshra.s32 @!p0 s20, $0x2;
	s14 =	sadd.s32 @p0 $0xE040, s23;
	s16 =	sadd.s32 @p0 $0x70, s28  }
0xed: {  	[hbm4b:s16+s26] =	stream.linear.scatter @p0 [tilespmem:s14], [sflag:$0x2], $0x40, $0x38;
	[tilespmem:$0x10000] =	vst v63  }
0xee: {  	s0 =	sadd.s32 $0xFFFFFFFF, s0;
	s21 =	sadd.s32 @!p0 s20, s21;
	s29 =	sadd.s32 $0x800, s29  }
0xef: {  	[hbm4b:s24+s30] =	stream.linear.scatter @!p0 [tilespmem:s21], [sflag:$0x2], $0x80, $0x38;
	[tilespmem:$0x10000] =	vst v63  }
0xf0: {  	s28 =	sadd.s32 $0x800, s28;
	s14 =	sadd.s32 @!p0 $0x2000, s21;
	s16 =	sadd.s32 @!p0 $0x10, s24  }
0xf1: {  	[hbm4b:s16+s30] =	stream.linear.scatter @!p0 [tilespmem:s14], [sflag:$0x2], $0x80, $0x38;
	[tilespmem:$0x10000] =	vst v63  }
0xf2: {  	s23 =	sadd.s32 @!p0 $0x70, s24;
	s14 =	sadd.s32 @!p0 $0x4000, s21;
	s16 =	sadd.s32 @!p0 $0x20, s24  }
0xf3: {  	[hbm4b:s16+s30] =	stream.linear.scatter @!p0 [tilespmem:s14], [sflag:$0x2], $0x80, $0x38;
	[tilespmem:$0x10000] =	vst v63  }
0xf4: {  	s24 =	sadd.s32 $0x800, s24;
	s14 =	sadd.s32 @!p0 $0x6000, s21;
	s16 =	sadd.s32 @!p0 $0x30, s6  }
0xf5: {  	[hbm4b:s16+s30] =	stream.linear.scatter @!p0 [tilespmem:s14], [sflag:$0x2], $0x80, $0x38;
	[tilespmem:$0x10000] =	vst v63  }
.Ltmp16:
0xf6: {  	s14 =	sadd.s32 @!p0 $0x8000, s21;
	s16 =	sadd.s32 @!p0 $0x40, s6;
	(pc) =	sbr.rel @p1 .LBB2_34-.Ltmp16, $4  }
0xf7: {  	[hbm4b:s16+s30] =	stream.linear.scatter @!p0 [tilespmem:s14], [sflag:$0x2], $0x80, $0x38;
	[tilespmem:$0x10000] =	vst v63  }
0xf8: {  	s1 =	sadd.s32 $0x1, s1;
	s14 =	sadd.s32 @!p0 $0xA000, s21;
	s16 =	sadd.s32 @!p0 $0x50, s6  }
0xf9: {  	[hbm4b:s16+s30] =	stream.linear.scatter @!p0 [tilespmem:s14], [sflag:$0x2], $0x80, $0x38;
	[tilespmem:$0x10000] =	vst v63  }
0xfa: {  	s20 =	sadd.s32 @!p0 $0xC000, s21;
	s6 =	sadd.s32 @!p0 $0x60, s6;
	s14 =	sand.u32 $0x7, s1  }
0xfb: {  	[hbm4b:s6+s30] =	stream.linear.scatter @!p0 [tilespmem:s20], [sflag:$0x2], $0x80, $0x38;
	[tilespmem:$0x10000] =	vst v63  }
0xfc: {  	s0 =	sadd.s32 s14, s0  }
0xfd: {  	s1 =	sadd.s32 @!p0 $0xE000, s21;
	s6 =	sshra.s32 @p0 s25, $0x2;
	s0 =	sand.u32 $0x3FFFFFF8, s0  }
0xfe: {  	[hbm4b:s23+s30] =	stream.linear.scatter @!p0 [tilespmem:s1], [sflag:$0x2], $0x80, $0x38;
	[tilespmem:$0x10000] =	vst v63  }
0xff: {  	s1 =	sadd.s32 @p0 s6, s0;
	s6 =	simm.s32 @p0 $0x0  }
0x100: {  	[hbm4b:s29+s6] =	stream.linear.scatter @p0 [tilespmem:s1], [sflag:$0x2], $0x40, $0x38;
	[tilespmem:$0x10000] =	vst v63  }
0x101: {  	s16 =	sadd.s32 @p0 $0x10, s29;
	s14 =	sadd.s32 @p0 $0x2000, s1  }
0x102: {  	[hbm4b:s16+s6] =	stream.linear.scatter @p0 [tilespmem:s14], [sflag:$0x2], $0x40, $0x38;
	[tilespmem:$0x10000] =	vst v63  }
0x103: {  	s14 =	sadd.s32 @p0 $0x4000, s1;
	s16 =	sadd.s32 @p0 $0x20, s29  }
0x104: {  	[hbm4b:s16+s6] =	stream.linear.scatter @p0 [tilespmem:s14], [sflag:$0x2], $0x40, $0x38;
	[tilespmem:$0x10000] =	vst v63  }
0x105: {  	s14 =	sadd.s32 @p0 $0x6000, s1;
	s16 =	sadd.s32 @p0 $0x30, s29  }
0x106: {  	[hbm4b:s16+s6] =	stream.linear.scatter @p0 [tilespmem:s14], [sflag:$0x2], $0x40, $0x38;
	[tilespmem:$0x10000] =	vst v63  }
0x107: {  	s14 =	sadd.s32 @p0 $0x8000, s1;
	s16 =	sadd.s32 @p0 $0x40, s29  }
0x108: {  	[hbm4b:s16+s6] =	stream.linear.scatter @p0 [tilespmem:s14], [sflag:$0x2], $0x40, $0x38;
	[tilespmem:$0x10000] =	vst v63  }
0x109: {  	s14 =	sadd.s32 @p0 $0xA000, s1;
	s16 =	sadd.s32 @p0 $0x50, s29  }
0x10a: {  	[hbm4b:s16+s6] =	stream.linear.scatter @p0 [tilespmem:s14], [sflag:$0x2], $0x40, $0x38;
	[tilespmem:$0x10000] =	vst v63  }
0x10b: {  	s14 =	sadd.s32 @p0 $0xC000, s1;
	s16 =	sadd.s32 @p0 $0x60, s29  }
0x10c: {  	[hbm4b:s16+s6] =	stream.linear.scatter @p0 [tilespmem:s14], [sflag:$0x2], $0x40, $0x38;
	[tilespmem:$0x10000] =	vst v63  }
0x10d: {  	s14 =	sadd.s32 @p0 $0xE000, s1;
	s16 =	sadd.s32 @p0 $0x70, s29  }
0x10e: {  	[hbm4b:s16+s6] =	stream.linear.scatter @p0 [tilespmem:s14], [sflag:$0x2], $0x40, $0x38;
	[tilespmem:$0x10000] =	vst v63  }
0x10f: {  	s14 =	sadd.s32 @p0 $0x40, s1  }
0x110: {  	[hbm4b:s28+s6] =	stream.linear.scatter @p0 [tilespmem:s14], [sflag:$0x2], $0x40, $0x38;
	[tilespmem:$0x10000] =	vst v63  }
0x111: {  	s16 =	sadd.s32 @p0 $0x10, s28;
	s14 =	sadd.s32 @p0 $0x2040, s1  }
0x112: {  	[hbm4b:s16+s6] =	stream.linear.scatter @p0 [tilespmem:s14], [sflag:$0x2], $0x40, $0x38;
	[tilespmem:$0x10000] =	vst v63  }
0x113: {  	s14 =	sadd.s32 @p0 $0x4040, s1;
	s16 =	sadd.s32 @p0 $0x20, s28  }
0x114: {  	[hbm4b:s16+s6] =	stream.linear.scatter @p0 [tilespmem:s14], [sflag:$0x2], $0x40, $0x38;
	[tilespmem:$0x10000] =	vst v63  }
0x115: {  	s14 =	sadd.s32 @p0 $0x6040, s1;
	s16 =	sadd.s32 @p0 $0x30, s28  }
0x116: {  	[hbm4b:s16+s6] =	stream.linear.scatter @p0 [tilespmem:s14], [sflag:$0x2], $0x40, $0x38;
	[tilespmem:$0x10000] =	vst v63  }
0x117: {  	s14 =	sadd.s32 @p0 $0x8040, s1;
	s16 =	sadd.s32 @p0 $0x40, s28  }
0x118: {  	[hbm4b:s16+s6] =	stream.linear.scatter @p0 [tilespmem:s14], [sflag:$0x2], $0x40, $0x38;
	[tilespmem:$0x10000] =	vst v63  }
0x119: {  	s14 =	sadd.s32 @p0 $0xA040, s1;
	s16 =	sadd.s32 @p0 $0x50, s28  }
0x11a: {  	[hbm4b:s16+s6] =	stream.linear.scatter @p0 [tilespmem:s14], [sflag:$0x2], $0x40, $0x38;
	[tilespmem:$0x10000] =	vst v63  }
0x11b: {  	s14 =	sadd.s32 @p0 $0xC040, s1;
	s16 =	sadd.s32 @p0 $0x60, s28  }
0x11c: {  	[hbm4b:s16+s6] =	stream.linear.scatter @p0 [tilespmem:s14], [sflag:$0x2], $0x40, $0x38;
	[tilespmem:$0x10000] =	vst v63  }
0x11d: {  	s1 =	sadd.s32 @p0 $0xE040, s1;
	s14 =	sadd.s32 @p0 $0x70, s28;
	s16 =	sshra.s32 @!p0 s25, $0x2  }
0x11e: {  	[hbm4b:s14+s6] =	stream.linear.scatter @p0 [tilespmem:s1], [sflag:$0x2], $0x40, $0x38;
	[tilespmem:$0x10000] =	vst v63  }
0x11f: {  	s0 =	sadd.s32 @!p0 s16, s0;
	s1 =	simm.s32 @!p0 $0x0  }
0x120: {  	[hbm4b:s24+s1] =	stream.linear.scatter @!p0 [tilespmem:s0], [sflag:$0x2], $0x80, $0x38;
	[tilespmem:$0x10000] =	vst v63  }
0x121: {  	s6 =	sadd.s32 @!p0 $0x2000, s0;
	s14 =	sadd.s32 @!p0 $0x10, s24  }
0x122: {  	[hbm4b:s14+s1] =	stream.linear.scatter @!p0 [tilespmem:s6], [sflag:$0x2], $0x80, $0x38;
	[tilespmem:$0x10000] =	vst v63  }
0x123: {  	s6 =	sadd.s32 @!p0 $0x4000, s0;
	s14 =	sadd.s32 @!p0 $0x20, s24  }
0x124: {  	[hbm4b:s14+s1] =	stream.linear.scatter @!p0 [tilespmem:s6], [sflag:$0x2], $0x80, $0x38;
	[tilespmem:$0x10000] =	vst v63  }
0x125: {  	s6 =	sadd.s32 @!p0 $0x6000, s0;
	s14 =	sadd.s32 @!p0 $0x30, s24  }
0x126: {  	[hbm4b:s14+s1] =	stream.linear.scatter @!p0 [tilespmem:s6], [sflag:$0x2], $0x80, $0x38;
	[tilespmem:$0x10000] =	vst v63  }
0x127: {  	s6 =	sadd.s32 @!p0 $0x8000, s0;
	s14 =	sadd.s32 @!p0 $0x40, s24  }
0x128: {  	[hbm4b:s14+s1] =	stream.linear.scatter @!p0 [tilespmem:s6], [sflag:$0x2], $0x80, $0x38;
	[tilespmem:$0x10000] =	vst v63  }
0x129: {  	s6 =	sadd.s32 @!p0 $0xA000, s0;
	s14 =	sadd.s32 @!p0 $0x50, s24  }
0x12a: {  	[hbm4b:s14+s1] =	stream.linear.scatter @!p0 [tilespmem:s6], [sflag:$0x2], $0x80, $0x38;
	[tilespmem:$0x10000] =	vst v63  }
0x12b: {  	s6 =	sadd.s32 @!p0 $0xC000, s0;
	s14 =	sadd.s32 @!p0 $0x60, s24  }
0x12c: {  	[hbm4b:s14+s1] =	stream.linear.scatter @!p0 [tilespmem:s6], [sflag:$0x2], $0x80, $0x38;
	[tilespmem:$0x10000] =	vst v63  }
0x12d: {  	s0 =	sadd.s32 @!p0 $0xE000, s0;
	s6 =	sadd.s32 @!p0 $0x70, s24  }
0x12e: {  	[hbm4b:s6+s1] =	stream.linear.scatter @!p0 [tilespmem:s0], [sflag:$0x2], $0x80, $0x38;
	[tilespmem:$0x10000] =	vst v63  }
0x12f: {  	_ =	swait.ge [sflag:s22], $0x200  }
0x130: {  	s0 =	simm.s32 $0x3F;
	[sflag:s22] =	ssyncset.done $0x0  }
.LBB2_36:
0x131: {  	p1 =	sne.s32 s0, $0x1;
	s0 =	sadd.s32 $0xFFFFFFFF, s0;
	[sflag:s22] =	ssyncadd.s32 $0xFFFFFE00  }
.Ltmp17:
0x132: {  	(pc) =	sbr.rel @p1 .LBB2_36-.Ltmp17, $3  }
0x133: {  	_ =	sdelay $0x1  }
0x134: {  	_ =	swait.ge [sflag:s22], $0x200  }
0x135: {  	[sflag:s22] =	ssyncset.done $0x0  }
0x136: {  	[sflag:s22] =	ssyncadd.s32 $0xFFFFFE00;
	s0 =	simm.s32 $0x80  }
0x137: {  	s1 =	simm.s32 $0x10;
	s14 =	sadd.s32 $0x0, s5;
	s6 =	simm.s32 $0x180  }
.LBB2_38:
0x138: {  	[tilespmem:s0], [sflag:$0x3] =	stream.linear.gather [hbm4b:s14+s2], $0x80, $0x38;
	[tilespmem:$0x10000] =	vst v63  }
0x139: {  	s14 =	smov.u32 s1;
	s0 =	smov.u32 s6;
	p1 =	sne.s32 s1, $0x1F0  }
.Ltmp18:
0x13a: {  	s1 =	sadd.s32 $0x10, s1;
	(pc) =	sbr.rel @p1 .LBB2_38-.Ltmp18, $2  }
0x13b: {  	_ =	sdelay $0x2  }
0x13c: {  	s6 =	sadd.s32 $0x100, s6;
	s14 =	sadd.s32 s14, s5  }
0x13d: {  	[tilespmem:s0], [sflag:$0x3] =	stream.linear.gather [hbm4b:s14+s2], $0x80, $0x38;
	[tilespmem:$0x10000] =	vst v63  }
0x13e: {  	s0 =	sadd.s32 $0x8000, s5;
	s1 =	simm.s32 $0x2080  }
0x13f: {  	s6 =	simm.s32 $0x10;
	s14 =	simm.s32 $0x2180;
	s20 =	sadd.s32 $0x0, s0  }
.LBB2_40:
0x140: {  	[tilespmem:s1], [sflag:$0x3] =	stream.linear.gather [hbm4b:s20+s2], $0x80, $0x38;
	[tilespmem:$0x10000] =	vst v63  }
0x141: {  	s16 =	smov.u32 s6;
	s1 =	smov.u32 s14;
	p1 =	sne.s32 s6, $0x1F0  }
.Ltmp19:
0x142: {  	s6 =	sadd.s32 $0x10, s6;
	(pc) =	sbr.rel @p1 .LBB2_40-.Ltmp19, $2  }
0x143: {  	_ =	sdelay $0x2  }
0x144: {  	s14 =	sadd.s32 $0x100, s14;
	s20 =	sadd.s32 s16, s0  }
0x145: {  	[tilespmem:s1], [sflag:$0x3] =	stream.linear.gather [hbm4b:s20+s2], $0x80, $0x38;
	[tilespmem:$0x10000] =	vst v63  }
0x146: {  	s0 =	sadd.s32 $0x10000, s5;
	s1 =	simm.s32 $0x4080  }
0x147: {  	s6 =	simm.s32 $0x10;
	s14 =	simm.s32 $0x4180;
	s20 =	sadd.s32 $0x0, s0  }
.LBB2_42:
0x148: {  	[tilespmem:s1], [sflag:$0x3] =	stream.linear.gather [hbm4b:s20+s2], $0x80, $0x38;
	[tilespmem:$0x10000] =	vst v63  }
0x149: {  	s16 =	smov.u32 s6;
	s1 =	smov.u32 s14;
	p1 =	sne.s32 s6, $0x1F0  }
.Ltmp20:
0x14a: {  	s6 =	sadd.s32 $0x10, s6;
	(pc) =	sbr.rel @p1 .LBB2_42-.Ltmp20, $2  }
0x14b: {  	_ =	sdelay $0x2  }
0x14c: {  	s14 =	sadd.s32 $0x100, s14;
	s20 =	sadd.s32 s16, s0  }
0x14d: {  	[tilespmem:s1], [sflag:$0x3] =	stream.linear.gather [hbm4b:s20+s2], $0x80, $0x38;
	[tilespmem:$0x10000] =	vst v63  }
0x14e: {  	s0 =	sadd.s32 $0x18000, s5;
	s1 =	simm.s32 $0x6080  }
0x14f: {  	s6 =	simm.s32 $0x10;
	s14 =	simm.s32 $0x6180;
	s20 =	sadd.s32 $0x0, s0  }
.LBB2_44:
0x150: {  	[tilespmem:s1], [sflag:$0x3] =	stream.linear.gather [hbm4b:s20+s2], $0x80, $0x38;
	[tilespmem:$0x10000] =	vst v63  }
0x151: {  	s16 =	smov.u32 s6;
	s1 =	smov.u32 s14;
	p1 =	sne.s32 s6, $0x1F0  }
.Ltmp21:
0x152: {  	s6 =	sadd.s32 $0x10, s6;
	(pc) =	sbr.rel @p1 .LBB2_44-.Ltmp21, $2  }
0x153: {  	_ =	sdelay $0x2  }
0x154: {  	s14 =	sadd.s32 $0x100, s14;
	s20 =	sadd.s32 s16, s0  }
0x155: {  	[tilespmem:s1], [sflag:$0x3] =	stream.linear.gather [hbm4b:s20+s2], $0x80, $0x38;
	[tilespmem:$0x10000] =	vst v63  }
0x156: {  	s0 =	sadd.s32 $0x20000, s5;
	s1 =	simm.s32 $0x8080  }
0x157: {  	s6 =	simm.s32 $0x10;
	s14 =	simm.s32 $0x8180;
	s20 =	sadd.s32 $0x0, s0  }
.LBB2_46:
0x158: {  	[tilespmem:s1], [sflag:$0x3] =	stream.linear.gather [hbm4b:s20+s2], $0x80, $0x38;
	[tilespmem:$0x10000] =	vst v63  }
0x159: {  	s16 =	smov.u32 s6;
	s1 =	smov.u32 s14;
	p1 =	sne.s32 s6, $0x1F0  }
.Ltmp22:
0x15a: {  	s6 =	sadd.s32 $0x10, s6;
	(pc) =	sbr.rel @p1 .LBB2_46-.Ltmp22, $2  }
0x15b: {  	_ =	sdelay $0x2  }
0x15c: {  	s14 =	sadd.s32 $0x100, s14;
	s20 =	sadd.s32 s16, s0  }
0x15d: {  	[tilespmem:s1], [sflag:$0x3] =	stream.linear.gather [hbm4b:s20+s2], $0x80, $0x38;
	[tilespmem:$0x10000] =	vst v63  }
0x15e: {  	s0 =	sadd.s32 $0x28000, s5;
	s1 =	simm.s32 $0xA080  }
0x15f: {  	s6 =	simm.s32 $0x10;
	s14 =	simm.s32 $0xA180;
	s20 =	sadd.s32 $0x0, s0  }
.LBB2_48:
0x160: {  	[tilespmem:s1], [sflag:$0x3] =	stream.linear.gather [hbm4b:s20+s2], $0x80, $0x38;
	[tilespmem:$0x10000] =	vst v63  }
0x161: {  	s16 =	smov.u32 s6;
	s1 =	smov.u32 s14;
	p1 =	sne.s32 s6, $0x1F0  }
.Ltmp23:
0x162: {  	s6 =	sadd.s32 $0x10, s6;
	(pc) =	sbr.rel @p1 .LBB2_48-.Ltmp23, $2  }
0x163: {  	_ =	sdelay $0x2  }
0x164: {  	s14 =	sadd.s32 $0x100, s14;
	s20 =	sadd.s32 s16, s0  }
0x165: {  	[tilespmem:s1], [sflag:$0x3] =	stream.linear.gather [hbm4b:s20+s2], $0x80, $0x38;
	[tilespmem:$0x10000] =	vst v63  }
0x166: {  	s0 =	sadd.s32 $0x30000, s5;
	s1 =	simm.s32 $0xC080  }
0x167: {  	s6 =	simm.s32 $0x10;
	s14 =	simm.s32 $0xC180;
	s20 =	sadd.s32 $0x0, s0  }
.LBB2_50:
0x168: {  	[tilespmem:s1], [sflag:$0x3] =	stream.linear.gather [hbm4b:s20+s2], $0x80, $0x38;
	[tilespmem:$0x10000] =	vst v63  }
0x169: {  	s16 =	smov.u32 s6;
	s1 =	smov.u32 s14;
	p1 =	sne.s32 s6, $0x1F0  }
.Ltmp24:
0x16a: {  	s6 =	sadd.s32 $0x10, s6;
	(pc) =	sbr.rel @p1 .LBB2_50-.Ltmp24, $2  }
0x16b: {  	_ =	sdelay $0x2  }
0x16c: {  	s14 =	sadd.s32 $0x100, s14;
	s20 =	sadd.s32 s16, s0  }
0x16d: {  	[tilespmem:s1], [sflag:$0x3] =	stream.linear.gather [hbm4b:s20+s2], $0x80, $0x38;
	[tilespmem:$0x10000] =	vst v63  }
0x16e: {  	s0 =	sadd.s32 $0x38000, s5;
	s1 =	simm.s32 $0xE080  }
0x16f: {  	s6 =	simm.s32 $0x10;
	s14 =	simm.s32 $0xE180;
	s20 =	sadd.s32 $0x0, s0  }
.LBB2_52:
0x170: {  	[tilespmem:s1], [sflag:$0x3] =	stream.linear.gather [hbm4b:s20+s2], $0x80, $0x38;
	[tilespmem:$0x10000] =	vst v63  }
0x171: {  	s16 =	smov.u32 s6;
	s1 =	smov.u32 s14;
	p1 =	sne.s32 s6, $0x1F0  }
.Ltmp25:
0x172: {  	s6 =	sadd.s32 $0x10, s6;
	(pc) =	sbr.rel @p1 .LBB2_52-.Ltmp25, $2  }
0x173: {  	_ =	sdelay $0x2  }
0x174: {  	s14 =	sadd.s32 $0x100, s14;
	s20 =	sadd.s32 s16, s0  }
0x175: {  	[tilespmem:s1], [sflag:$0x3] =	stream.linear.gather [hbm4b:s20+s2], $0x80, $0x38;
	[tilespmem:$0x10000] =	vst v63  }
0x176: {  	s0 =	simm.s32 $0x0  }
0x177: {  	s26 =	simm.s32 $0x3;
	s0 =	sand.u32 $0x7, s0  }
0x178: {  	_ =	swait.ge [sflag:s26], $0x8000;
	s0 =	sadd.s32 $0xFFFFFFE0, s0  }
0x179: {  	[sflag:s26] =	ssyncset.done $0x0;
	s0 =	sand.u32 $0x78, s0  }
0x17a: {  	[sflag:s26] =	ssyncadd.s32 $0xFFFF8000;
	s26 =	simm.s32 @p0 $0x0;
	s1 =	sadd.s32 @p0 $0x0, s0  }
0x17b: {  	[hbm4b:s19+s26] =	stream.linear.scatter @p0 [tilespmem:s1], [sflag:$0x2], $0x40, $0x38;
	[tilespmem:$0x10000] =	vst v63  }
0x17c: {  	s14 =	sadd.s32 @p0 $0x10, s19;
	s6 =	sadd.s32 @p0 $0x2000, s1  }
0x17d: {  	[hbm4b:s14+s26] =	stream.linear.scatter @p0 [tilespmem:s6], [sflag:$0x2], $0x40, $0x38;
	[tilespmem:$0x10000] =	vst v63  }
0x17e: {  	s6 =	sadd.s32 @p0 $0x4000, s1;
	s14 =	sadd.s32 @p0 $0x20, s19  }
0x17f: {  	[hbm4b:s14+s26] =	stream.linear.scatter @p0 [tilespmem:s6], [sflag:$0x2], $0x40, $0x38;
	[tilespmem:$0x10000] =	vst v63  }
0x180: {  	s6 =	sadd.s32 @p0 $0x6000, s1;
	s14 =	sadd.s32 @p0 $0x30, s19  }
0x181: {  	[hbm4b:s14+s26] =	stream.linear.scatter @p0 [tilespmem:s6], [sflag:$0x2], $0x40, $0x38;
	[tilespmem:$0x10000] =	vst v63  }
0x182: {  	s6 =	sadd.s32 @p0 $0x8000, s1;
	s14 =	sadd.s32 @p0 $0x40, s19  }
0x183: {  	[hbm4b:s14+s26] =	stream.linear.scatter @p0 [tilespmem:s6], [sflag:$0x2], $0x40, $0x38;
	[tilespmem:$0x10000] =	vst v63  }
0x184: {  	s6 =	sadd.s32 @p0 $0xA000, s1;
	s14 =	sadd.s32 @p0 $0x50, s19  }
0x185: {  	[hbm4b:s14+s26] =	stream.linear.scatter @p0 [tilespmem:s6], [sflag:$0x2], $0x40, $0x38;
	[tilespmem:$0x10000] =	vst v63  }
0x186: {  	s6 =	sadd.s32 @p0 $0xC000, s1;
	s14 =	sadd.s32 @p0 $0x60, s19  }
0x187: {  	[hbm4b:s14+s26] =	stream.linear.scatter @p0 [tilespmem:s6], [sflag:$0x2], $0x40, $0x38;
	[tilespmem:$0x10000] =	vst v63  }
0x188: {  	s6 =	sadd.s32 @p0 $0xE000, s1;
	s14 =	sadd.s32 @p0 $0x70, s19  }
0x189: {  	[hbm4b:s14+s26] =	stream.linear.scatter @p0 [tilespmem:s6], [sflag:$0x2], $0x40, $0x38;
	[tilespmem:$0x10000] =	vst v63  }
0x18a: {  	s6 =	sadd.s32 @p0 $0x40, s1  }
0x18b: {  	[hbm4b:s18+s26] =	stream.linear.scatter @p0 [tilespmem:s6], [sflag:$0x2], $0x40, $0x38;
	[tilespmem:$0x10000] =	vst v63  }
0x18c: {  	s14 =	sadd.s32 @p0 $0x10, s18;
	s6 =	sadd.s32 @p0 $0x2040, s1  }
0x18d: {  	[hbm4b:s14+s26] =	stream.linear.scatter @p0 [tilespmem:s6], [sflag:$0x2], $0x40, $0x38;
	[tilespmem:$0x10000] =	vst v63  }
0x18e: {  	s6 =	sadd.s32 @p0 $0x4040, s1;
	s14 =	sadd.s32 @p0 $0x20, s18  }
0x18f: {  	[hbm4b:s14+s26] =	stream.linear.scatter @p0 [tilespmem:s6], [sflag:$0x2], $0x40, $0x38;
	[tilespmem:$0x10000] =	vst v63  }
0x190: {  	s6 =	sadd.s32 @p0 $0x6040, s1;
	s14 =	sadd.s32 @p0 $0x30, s18  }
0x191: {  	[hbm4b:s14+s26] =	stream.linear.scatter @p0 [tilespmem:s6], [sflag:$0x2], $0x40, $0x38;
	[tilespmem:$0x10000] =	vst v63  }
0x192: {  	s6 =	sadd.s32 @p0 $0x8040, s1;
	s14 =	sadd.s32 @p0 $0x40, s18  }
0x193: {  	[hbm4b:s14+s26] =	stream.linear.scatter @p0 [tilespmem:s6], [sflag:$0x2], $0x40, $0x38;
	[tilespmem:$0x10000] =	vst v63  }
0x194: {  	s6 =	sadd.s32 @p0 $0xA040, s1;
	s14 =	sadd.s32 @p0 $0x50, s18  }
0x195: {  	[hbm4b:s14+s26] =	stream.linear.scatter @p0 [tilespmem:s6], [sflag:$0x2], $0x40, $0x38;
	[tilespmem:$0x10000] =	vst v63  }
0x196: {  	s6 =	sadd.s32 @p0 $0xC040, s1;
	s14 =	sadd.s32 @p0 $0x60, s18  }
0x197: {  	[hbm4b:s14+s26] =	stream.linear.scatter @p0 [tilespmem:s6], [sflag:$0x2], $0x40, $0x38;
	[tilespmem:$0x10000] =	vst v63  }
0x198: {  	s1 =	sadd.s32 @p0 $0xE040, s1;
	s6 =	sadd.s32 @p0 $0x70, s18  }
0x199: {  	[hbm4b:s6+s26] =	stream.linear.scatter @p0 [tilespmem:s1], [sflag:$0x2], $0x40, $0x38;
	[tilespmem:$0x10000] =	vst v63  }
0x19a: {  	s30 =	simm.s32 @!p0 $0x0;
	s21 =	sadd.s32 @!p0 $0x0, s0  }
0x19b: {  	[hbm4b:s17+s30] =	stream.linear.scatter @!p0 [tilespmem:s21], [sflag:$0x2], $0x80, $0x38;
	[tilespmem:$0x10000] =	vst v63  }
0x19c: {  	s25 =	simm.s32 $0x400;
	s0 =	sadd.s32 @!p0 $0x2000, s21;
	s1 =	sadd.s32 @!p0 $0x10, s17  }
0x19d: {  	[hbm4b:s1+s30] =	stream.linear.scatter @!p0 [tilespmem:s0], [sflag:$0x2], $0x80, $0x38;
	[tilespmem:$0x10000] =	vst v63  }
0x19e: {  	s31 =	simm.s32 $0x800;
	s0 =	sadd.s32 @!p0 $0x4000, s21;
	s1 =	sadd.s32 @!p0 $0x20, s17  }
0x19f: {  	[hbm4b:s1+s30] =	stream.linear.scatter @!p0 [tilespmem:s0], [sflag:$0x2], $0x80, $0x38;
	[tilespmem:$0x10000] =	vst v63  }
0x1a0: {  	s29 =	sadd.s32 $0x800, s19;
	s0 =	sadd.s32 @!p0 $0x6000, s21;
	s1 =	sadd.s32 @!p0 $0x30, s17  }
0x1a1: {  	[hbm4b:s1+s30] =	stream.linear.scatter @!p0 [tilespmem:s0], [sflag:$0x2], $0x80, $0x38;
	[tilespmem:$0x10000] =	vst v63  }
0x1a2: {  	s28 =	sadd.s32 $0x800, s18;
	s0 =	sadd.s32 @!p0 $0x8000, s21;
	s1 =	sadd.s32 @!p0 $0x40, s17  }
0x1a3: {  	[hbm4b:s1+s30] =	stream.linear.scatter @!p0 [tilespmem:s0], [sflag:$0x2], $0x80, $0x38;
	[tilespmem:$0x10000] =	vst v63  }
0x1a4: {  	s23 =	sadd.s32 @!p0 $0x70, s17;
	s0 =	sadd.s32 @!p0 $0xA000, s21;
	s1 =	sadd.s32 @!p0 $0x50, s17  }
0x1a5: {  	[hbm4b:s1+s30] =	stream.linear.scatter @!p0 [tilespmem:s0], [sflag:$0x2], $0x80, $0x38;
	[tilespmem:$0x10000] =	vst v63  }
0x1a6: {  	s24 =	sadd.s32 $0x800, s17;
	s20 =	sadd.s32 @!p0 $0xC000, s21;
	s1 =	simm.s32 $0x1  }
0x1a7: {  	s6 =	sadd.s32 @!p0 $0x60, s17;
	s0 =	simm.s32 $0xFFFFFFDF;
	s14 =	sand.u32 $0x7, s1  }
.LBB2_54:
0x1a8: {  	[hbm4b:s6+s30] =	stream.linear.scatter @!p0 [tilespmem:s20], [sflag:$0x2], $0x80, $0x38;
	[tilespmem:$0x10000] =	vst v63  }
0x1a9: {  	s20 =	smov.u32 s25;
	s25 =	smov.u32 s31;
	s6 =	smov.u32 s24  }
0x1aa: {  	s31 =	sadd.s32 $0x400, s31;
	s14 =	sadd.s32 s14, s0;
	s16 =	sadd.s32 @!p0 $0xE000, s21  }
0x1ab: {  	p1 =	sne.s32 s31, $0x8000;
	s21 =	sand.u32 $0x78, s14;
	s14 =	sshra.s32 @p0 s20, $0x2  }
0x1ac: {  	[hbm4b:s23+s30] =	stream.linear.scatter @!p0 [tilespmem:s16], [sflag:$0x2], $0x80, $0x38;
	[tilespmem:$0x10000] =	vst v63  }
0x1ad: {  	s23 =	sadd.s32 @p0 s14, s21  }
0x1ae: {  	[hbm4b:s29+s26] =	stream.linear.scatter @p0 [tilespmem:s23], [sflag:$0x2], $0x40, $0x38;
	[tilespmem:$0x10000] =	vst v63  }
0x1af: {  	s16 =	sadd.s32 @p0 $0x10, s29;
	s14 =	sadd.s32 @p0 $0x2000, s23  }
0x1b0: {  	[hbm4b:s16+s26] =	stream.linear.scatter @p0 [tilespmem:s14], [sflag:$0x2], $0x40, $0x38;
	[tilespmem:$0x10000] =	vst v63  }
0x1b1: {  	s14 =	sadd.s32 @p0 $0x4000, s23;
	s16 =	sadd.s32 @p0 $0x20, s29  }
0x1b2: {  	[hbm4b:s16+s26] =	stream.linear.scatter @p0 [tilespmem:s14], [sflag:$0x2], $0x40, $0x38;
	[tilespmem:$0x10000] =	vst v63  }
0x1b3: {  	s14 =	sadd.s32 @p0 $0x6000, s23;
	s16 =	sadd.s32 @p0 $0x30, s29  }
0x1b4: {  	[hbm4b:s16+s26] =	stream.linear.scatter @p0 [tilespmem:s14], [sflag:$0x2], $0x40, $0x38;
	[tilespmem:$0x10000] =	vst v63  }
0x1b5: {  	s14 =	sadd.s32 @p0 $0x8000, s23;
	s16 =	sadd.s32 @p0 $0x40, s29  }
0x1b6: {  	[hbm4b:s16+s26] =	stream.linear.scatter @p0 [tilespmem:s14], [sflag:$0x2], $0x40, $0x38;
	[tilespmem:$0x10000] =	vst v63  }
0x1b7: {  	s14 =	sadd.s32 @p0 $0xA000, s23;
	s16 =	sadd.s32 @p0 $0x50, s29  }
0x1b8: {  	[hbm4b:s16+s26] =	stream.linear.scatter @p0 [tilespmem:s14], [sflag:$0x2], $0x40, $0x38;
	[tilespmem:$0x10000] =	vst v63  }
0x1b9: {  	s14 =	sadd.s32 @p0 $0xC000, s23;
	s16 =	sadd.s32 @p0 $0x60, s29  }
0x1ba: {  	[hbm4b:s16+s26] =	stream.linear.scatter @p0 [tilespmem:s14], [sflag:$0x2], $0x40, $0x38;
	[tilespmem:$0x10000] =	vst v63  }
0x1bb: {  	s14 =	sadd.s32 @p0 $0xE000, s23;
	s16 =	sadd.s32 @p0 $0x70, s29  }
0x1bc: {  	[hbm4b:s16+s26] =	stream.linear.scatter @p0 [tilespmem:s14], [sflag:$0x2], $0x40, $0x38;
	[tilespmem:$0x10000] =	vst v63  }
0x1bd: {  	s14 =	sadd.s32 @p0 $0x40, s23  }
0x1be: {  	[hbm4b:s28+s26] =	stream.linear.scatter @p0 [tilespmem:s14], [sflag:$0x2], $0x40, $0x38;
	[tilespmem:$0x10000] =	vst v63  }
0x1bf: {  	s16 =	sadd.s32 @p0 $0x10, s28;
	s14 =	sadd.s32 @p0 $0x2040, s23  }
0x1c0: {  	[hbm4b:s16+s26] =	stream.linear.scatter @p0 [tilespmem:s14], [sflag:$0x2], $0x40, $0x38;
	[tilespmem:$0x10000] =	vst v63  }
0x1c1: {  	s14 =	sadd.s32 @p0 $0x4040, s23;
	s16 =	sadd.s32 @p0 $0x20, s28  }
0x1c2: {  	[hbm4b:s16+s26] =	stream.linear.scatter @p0 [tilespmem:s14], [sflag:$0x2], $0x40, $0x38;
	[tilespmem:$0x10000] =	vst v63  }
0x1c3: {  	s14 =	sadd.s32 @p0 $0x6040, s23;
	s16 =	sadd.s32 @p0 $0x30, s28  }
0x1c4: {  	[hbm4b:s16+s26] =	stream.linear.scatter @p0 [tilespmem:s14], [sflag:$0x2], $0x40, $0x38;
	[tilespmem:$0x10000] =	vst v63  }
0x1c5: {  	s14 =	sadd.s32 @p0 $0x8040, s23;
	s16 =	sadd.s32 @p0 $0x40, s28  }
0x1c6: {  	[hbm4b:s16+s26] =	stream.linear.scatter @p0 [tilespmem:s14], [sflag:$0x2], $0x40, $0x38;
	[tilespmem:$0x10000] =	vst v63  }
0x1c7: {  	s14 =	sadd.s32 @p0 $0xA040, s23;
	s16 =	sadd.s32 @p0 $0x50, s28  }
0x1c8: {  	[hbm4b:s16+s26] =	stream.linear.scatter @p0 [tilespmem:s14], [sflag:$0x2], $0x40, $0x38;
	[tilespmem:$0x10000] =	vst v63  }
0x1c9: {  	s14 =	sadd.s32 @p0 $0xC040, s23;
	s16 =	sadd.s32 @p0 $0x60, s28  }
0x1ca: {  	[hbm4b:s16+s26] =	stream.linear.scatter @p0 [tilespmem:s14], [sflag:$0x2], $0x40, $0x38;
	[tilespmem:$0x10000] =	vst v63  }
0x1cb: {  	s20 =	sshra.s32 @!p0 s20, $0x2;
	s14 =	sadd.s32 @p0 $0xE040, s23;
	s16 =	sadd.s32 @p0 $0x70, s28  }
0x1cc: {  	[hbm4b:s16+s26] =	stream.linear.scatter @p0 [tilespmem:s14], [sflag:$0x2], $0x40, $0x38;
	[tilespmem:$0x10000] =	vst v63  }
0x1cd: {  	s0 =	sadd.s32 $0xFFFFFFFF, s0;
	s21 =	sadd.s32 @!p0 s20, s21;
	s29 =	sadd.s32 $0x800, s29  }
0x1ce: {  	[hbm4b:s24+s30] =	stream.linear.scatter @!p0 [tilespmem:s21], [sflag:$0x2], $0x80, $0x38;
	[tilespmem:$0x10000] =	vst v63  }
0x1cf: {  	s28 =	sadd.s32 $0x800, s28;
	s14 =	sadd.s32 @!p0 $0x2000, s21;
	s16 =	sadd.s32 @!p0 $0x10, s24  }
0x1d0: {  	[hbm4b:s16+s30] =	stream.linear.scatter @!p0 [tilespmem:s14], [sflag:$0x2], $0x80, $0x38;
	[tilespmem:$0x10000] =	vst v63  }
0x1d1: {  	s23 =	sadd.s32 @!p0 $0x70, s24;
	s14 =	sadd.s32 @!p0 $0x4000, s21;
	s16 =	sadd.s32 @!p0 $0x20, s24  }
0x1d2: {  	[hbm4b:s16+s30] =	stream.linear.scatter @!p0 [tilespmem:s14], [sflag:$0x2], $0x80, $0x38;
	[tilespmem:$0x10000] =	vst v63  }
0x1d3: {  	s24 =	sadd.s32 $0x800, s24;
	s14 =	sadd.s32 @!p0 $0x6000, s21;
	s16 =	sadd.s32 @!p0 $0x30, s6  }
0x1d4: {  	[hbm4b:s16+s30] =	stream.linear.scatter @!p0 [tilespmem:s14], [sflag:$0x2], $0x80, $0x38;
	[tilespmem:$0x10000] =	vst v63  }
.Ltmp26:
0x1d5: {  	s14 =	sadd.s32 @!p0 $0x8000, s21;
	s16 =	sadd.s32 @!p0 $0x40, s6;
	(pc) =	sbr.rel @p1 .LBB2_54-.Ltmp26, $4  }
0x1d6: {  	[hbm4b:s16+s30] =	stream.linear.scatter @!p0 [tilespmem:s14], [sflag:$0x2], $0x80, $0x38;
	[tilespmem:$0x10000] =	vst v63  }
0x1d7: {  	s1 =	sadd.s32 $0x1, s1;
	s14 =	sadd.s32 @!p0 $0xA000, s21;
	s16 =	sadd.s32 @!p0 $0x50, s6  }
0x1d8: {  	[hbm4b:s16+s30] =	stream.linear.scatter @!p0 [tilespmem:s14], [sflag:$0x2], $0x80, $0x38;
	[tilespmem:$0x10000] =	vst v63  }
0x1d9: {  	s20 =	sadd.s32 @!p0 $0xC000, s21;
	s6 =	sadd.s32 @!p0 $0x60, s6;
	s14 =	sand.u32 $0x7, s1  }
0x1da: {  	[hbm4b:s6+s30] =	stream.linear.scatter @!p0 [tilespmem:s20], [sflag:$0x2], $0x80, $0x38;
	[tilespmem:$0x10000] =	vst v63  }
0x1db: {  	s0 =	sadd.s32 s14, s0  }
0x1dc: {  	s1 =	sadd.s32 @!p0 $0xE000, s21;
	s6 =	sshra.s32 @p0 s25, $0x2;
	s0 =	sand.u32 $0x78, s0  }
0x1dd: {  	[hbm4b:s23+s30] =	stream.linear.scatter @!p0 [tilespmem:s1], [sflag:$0x2], $0x80, $0x38;
	[tilespmem:$0x10000] =	vst v63  }
0x1de: {  	s1 =	sadd.s32 @p0 s6, s0;
	s6 =	simm.s32 @p0 $0x0  }
0x1df: {  	[hbm4b:s29+s6] =	stream.linear.scatter @p0 [tilespmem:s1], [sflag:$0x2], $0x40, $0x38;
	[tilespmem:$0x10000] =	vst v63  }
0x1e0: {  	s16 =	sadd.s32 @p0 $0x10, s29;
	s14 =	sadd.s32 @p0 $0x2000, s1  }
0x1e1: {  	[hbm4b:s16+s6] =	stream.linear.scatter @p0 [tilespmem:s14], [sflag:$0x2], $0x40, $0x38;
	[tilespmem:$0x10000] =	vst v63  }
0x1e2: {  	s14 =	sadd.s32 @p0 $0x4000, s1;
	s16 =	sadd.s32 @p0 $0x20, s29  }
0x1e3: {  	[hbm4b:s16+s6] =	stream.linear.scatter @p0 [tilespmem:s14], [sflag:$0x2], $0x40, $0x38;
	[tilespmem:$0x10000] =	vst v63  }
0x1e4: {  	s14 =	sadd.s32 @p0 $0x6000, s1;
	s16 =	sadd.s32 @p0 $0x30, s29  }
0x1e5: {  	[hbm4b:s16+s6] =	stream.linear.scatter @p0 [tilespmem:s14], [sflag:$0x2], $0x40, $0x38;
	[tilespmem:$0x10000] =	vst v63  }
0x1e6: {  	s14 =	sadd.s32 @p0 $0x8000, s1;
	s16 =	sadd.s32 @p0 $0x40, s29  }
0x1e7: {  	[hbm4b:s16+s6] =	stream.linear.scatter @p0 [tilespmem:s14], [sflag:$0x2], $0x40, $0x38;
	[tilespmem:$0x10000] =	vst v63  }
0x1e8: {  	s14 =	sadd.s32 @p0 $0xA000, s1;
	s16 =	sadd.s32 @p0 $0x50, s29  }
0x1e9: {  	[hbm4b:s16+s6] =	stream.linear.scatter @p0 [tilespmem:s14], [sflag:$0x2], $0x40, $0x38;
	[tilespmem:$0x10000] =	vst v63  }
0x1ea: {  	s14 =	sadd.s32 @p0 $0xC000, s1;
	s16 =	sadd.s32 @p0 $0x60, s29  }
0x1eb: {  	[hbm4b:s16+s6] =	stream.linear.scatter @p0 [tilespmem:s14], [sflag:$0x2], $0x40, $0x38;
	[tilespmem:$0x10000] =	vst v63  }
0x1ec: {  	s14 =	sadd.s32 @p0 $0xE000, s1;
	s16 =	sadd.s32 @p0 $0x70, s29  }
0x1ed: {  	[hbm4b:s16+s6] =	stream.linear.scatter @p0 [tilespmem:s14], [sflag:$0x2], $0x40, $0x38;
	[tilespmem:$0x10000] =	vst v63  }
0x1ee: {  	s14 =	sadd.s32 @p0 $0x40, s1  }
0x1ef: {  	[hbm4b:s28+s6] =	stream.linear.scatter @p0 [tilespmem:s14], [sflag:$0x2], $0x40, $0x38;
	[tilespmem:$0x10000] =	vst v63  }
0x1f0: {  	s16 =	sadd.s32 @p0 $0x10, s28;
	s14 =	sadd.s32 @p0 $0x2040, s1  }
0x1f1: {  	[hbm4b:s16+s6] =	stream.linear.scatter @p0 [tilespmem:s14], [sflag:$0x2], $0x40, $0x38;
	[tilespmem:$0x10000] =	vst v63  }
0x1f2: {  	s14 =	sadd.s32 @p0 $0x4040, s1;
	s16 =	sadd.s32 @p0 $0x20, s28  }
0x1f3: {  	[hbm4b:s16+s6] =	stream.linear.scatter @p0 [tilespmem:s14], [sflag:$0x2], $0x40, $0x38;
	[tilespmem:$0x10000] =	vst v63  }
0x1f4: {  	s14 =	sadd.s32 @p0 $0x6040, s1;
	s16 =	sadd.s32 @p0 $0x30, s28  }
0x1f5: {  	[hbm4b:s16+s6] =	stream.linear.scatter @p0 [tilespmem:s14], [sflag:$0x2], $0x40, $0x38;
	[tilespmem:$0x10000] =	vst v63  }
0x1f6: {  	s14 =	sadd.s32 @p0 $0x8040, s1;
	s16 =	sadd.s32 @p0 $0x40, s28  }
0x1f7: {  	[hbm4b:s16+s6] =	stream.linear.scatter @p0 [tilespmem:s14], [sflag:$0x2], $0x40, $0x38;
	[tilespmem:$0x10000] =	vst v63  }
0x1f8: {  	s14 =	sadd.s32 @p0 $0xA040, s1;
	s16 =	sadd.s32 @p0 $0x50, s28  }
0x1f9: {  	[hbm4b:s16+s6] =	stream.linear.scatter @p0 [tilespmem:s14], [sflag:$0x2], $0x40, $0x38;
	[tilespmem:$0x10000] =	vst v63  }
0x1fa: {  	s14 =	sadd.s32 @p0 $0xC040, s1;
	s16 =	sadd.s32 @p0 $0x60, s28  }
0x1fb: {  	[hbm4b:s16+s6] =	stream.linear.scatter @p0 [tilespmem:s14], [sflag:$0x2], $0x40, $0x38;
	[tilespmem:$0x10000] =	vst v63  }
0x1fc: {  	s1 =	sadd.s32 @p0 $0xE040, s1;
	s14 =	sadd.s32 @p0 $0x70, s28;
	s16 =	sshra.s32 @!p0 s25, $0x2  }
0x1fd: {  	[hbm4b:s14+s6] =	stream.linear.scatter @p0 [tilespmem:s1], [sflag:$0x2], $0x40, $0x38;
	[tilespmem:$0x10000] =	vst v63  }
0x1fe: {  	s0 =	sadd.s32 @!p0 s16, s0;
	s1 =	simm.s32 @!p0 $0x0  }
0x1ff: {  	[hbm4b:s24+s1] =	stream.linear.scatter @!p0 [tilespmem:s0], [sflag:$0x2], $0x80, $0x38;
	[tilespmem:$0x10000] =	vst v63  }
0x200: {  	s6 =	sadd.s32 @!p0 $0x2000, s0;
	s14 =	sadd.s32 @!p0 $0x10, s24  }
0x201: {  	[hbm4b:s14+s1] =	stream.linear.scatter @!p0 [tilespmem:s6], [sflag:$0x2], $0x80, $0x38;
	[tilespmem:$0x10000] =	vst v63  }
0x202: {  	s6 =	sadd.s32 @!p0 $0x4000, s0;
	s14 =	sadd.s32 @!p0 $0x20, s24  }
0x203: {  	[hbm4b:s14+s1] =	stream.linear.scatter @!p0 [tilespmem:s6], [sflag:$0x2], $0x80, $0x38;
	[tilespmem:$0x10000] =	vst v63  }
0x204: {  	s6 =	sadd.s32 @!p0 $0x6000, s0;
	s14 =	sadd.s32 @!p0 $0x30, s24  }
0x205: {  	[hbm4b:s14+s1] =	stream.linear.scatter @!p0 [tilespmem:s6], [sflag:$0x2], $0x80, $0x38;
	[tilespmem:$0x10000] =	vst v63  }
0x206: {  	s6 =	sadd.s32 @!p0 $0x8000, s0;
	s14 =	sadd.s32 @!p0 $0x40, s24  }
0x207: {  	[hbm4b:s14+s1] =	stream.linear.scatter @!p0 [tilespmem:s6], [sflag:$0x2], $0x80, $0x38;
	[tilespmem:$0x10000] =	vst v63  }
0x208: {  	s6 =	sadd.s32 @!p0 $0xA000, s0;
	s14 =	sadd.s32 @!p0 $0x50, s24  }
0x209: {  	[hbm4b:s14+s1] =	stream.linear.scatter @!p0 [tilespmem:s6], [sflag:$0x2], $0x80, $0x38;
	[tilespmem:$0x10000] =	vst v63  }
0x20a: {  	s6 =	sadd.s32 @!p0 $0xC000, s0;
	s14 =	sadd.s32 @!p0 $0x60, s24  }
0x20b: {  	[hbm4b:s14+s1] =	stream.linear.scatter @!p0 [tilespmem:s6], [sflag:$0x2], $0x80, $0x38;
	[tilespmem:$0x10000] =	vst v63  }
0x20c: {  	s0 =	sadd.s32 @!p0 $0xE000, s0;
	s6 =	sadd.s32 @!p0 $0x70, s24  }
0x20d: {  	[hbm4b:s6+s1] =	stream.linear.scatter @!p0 [tilespmem:s0], [sflag:$0x2], $0x80, $0x38;
	[tilespmem:$0x10000] =	vst v63  }
0x20e: {  	_ =	swait.ge [sflag:s22], $0x200  }
0x20f: {  	s0 =	simm.s32 $0x3F;
	[sflag:s22] =	ssyncset.done $0x0  }
.LBB2_56:
0x210: {  	p1 =	sne.s32 s0, $0x1;
	s0 =	sadd.s32 $0xFFFFFFFF, s0;
	[sflag:s22] =	ssyncadd.s32 $0xFFFFFE00  }
.Ltmp27:
0x211: {  	(pc) =	sbr.rel @p1 .LBB2_56-.Ltmp27, $3  }
0x212: {  	_ =	sdelay $0x1  }
0x213: {  	_ =	swait.ge [sflag:s22], $0x200  }
0x214: {  	[sflag:s22] =	ssyncset.done $0x0  }
0x215: {  	s1 =	rddreg [dreg:$0x6]  }
0x216: {  	s0 =	rddreg [dreg:$0x3];
	s1 =	sadd.s32 $0x1, s1  }
0x217: {  	p1 =	sne.s32 s1, s0  }
.Ltmp28:
0x218: {  	_ = 	snop;
	(pc) =	sbr.rel @p1 .LBB2_1-.Ltmp28, $2  }
0x219: {  	_ =	sdelay $0x2  }
0x21a: {  	[sflag:s22] =	ssyncadd.s32 $0xFFFFFE00  }
0x21b: {  	_ =	sfence.sel $0x180000  }
0x21c: {  	[bflag:$0x0] =	sbarrier.arrive $0xFFFF  }
0x21d: {  	_ =	strace $0x90000047  }
0x21e: {  	s0 =	stileid.u32;
	[bflag:$0x2] =	sbarrier.arrive $0xFFFF  }
0x21f: {  	p0 =	sne.s32 s0, $0x0;
	s0 =	rddreg [dreg:$0x2]  }
0x220: {  	s0 =	sadd.s32 @!p0 $0x100000, s0  }
0x221: {  	[sflag:s0] =	ssyncadd.tile.s32 @!p0 $0x1;
	_ =	shalt  }
.Lfunc_end2:
_tile_overlayer_lowered:
.L_overlay_start_2:
0x222: {  	(tag) =	ssettag $0x2  }
0x223: {  	s0 =	rddreg [dreg:$0x0];
	s2 =	stileid.u32  }
0x224: {  	s1 =	rddreg [dreg:$0x1];
	p0 =	sne.s32 s2, $0x0  }
0x225: {  	s3 =	rddreg [dreg:$0x2];
	[bflag:$0x3] =	sbarrier.arrive $0xFFFF;
	s2 =	simm.s32 @!p0 $0x1C03  }
0x226: {  	[timem:s3], [sflag:s2] =	dma.local @!p0 [hbm:s0], s1  }
0x227: {  	s0 =	simm.s32 @!p0 $0x3  }
0x228: {  	_ =	swait.ge @!p0 [sflag:s0], s1  }
0x229: {  	s1 =	ssub.s32 @!p0 $0x0, s1;
	[sflag:s0] =	ssyncset.done @!p0 $0x0  }
0x22a: {  	[sflag:s0] =	ssyncadd.s32 @!p0 s1  }
0x22b: {  	[bflag:$0x3] =	sbarrier.arrive $0xFFFF  }
0x22c: {  	_ =	shalt  }

</sc_bundles>
